<compile_context>
chip_gen: v7x
topology: tpu7x:2x2x1
jax: 0.10.2.dev20260603
libtpu: 0.0.44.dev20260713+nightly
codegen_flags: <defaults>
</compile_context>

<pallas_src>
import functools

import jax
import jax.numpy as jnp
from jax import lax
from jax.experimental import pallas as pl
from jax.experimental.pallas import tpu as pltpu
from jax.experimental.pallas import tpu_sc as plsc

_NBUF = 4
_LOOKAHEAD = 2
_CHUNK = 400
_SEQ_PAD = 56
def _gather_kernel(N, V2, n_workers):
    n_per_w = N // n_workers
    n_chunks = n_per_w // _CHUNK
    n_groups = n_chunks // _NBUF
    mesh = plsc.VectorSubcoreMesh(core_axis_name="c", subcore_axis_name="s")

    @functools.partial(
        pl.kernel,
        mesh=mesh,
        out_type=jax.ShapeDtypeStruct((2 * 16384 * _SEQ_PAD, 64), jnp.float32),
        scratch_types=[
            pltpu.VMEM((_NBUF, _CHUNK), jnp.int32),
            pltpu.VMEM((_NBUF, _CHUNK), jnp.int32),
            pltpu.VMEM((_NBUF, _CHUNK, 64), jnp.float32),
            pltpu.SemaphoreType.DMA((_NBUF,)),
            pltpu.SemaphoreType.DMA((_NBUF,)),
        ],
        compiler_params=pltpu.CompilerParams(use_tc_tiling_on_sc=False),
    )
    def body(idx_hbm, pidx_hbm, table_hbm, out_hbm, idx_v, pidx_v, rows_v, g_sem, o_sem):
        nc = plsc.get_sparse_core_info().num_cores
        wid = lax.axis_index("s") * nc + lax.axis_index("c")
        base = wid * n_per_w

        def start_gather(i, slot):
            off = base + i * _CHUNK
            pltpu.sync_copy(idx_hbm.at[pl.ds(off, _CHUNK)], idx_v.at[slot])
            pltpu.sync_copy(pidx_hbm.at[pl.ds(off, _CHUNK)], pidx_v.at[slot])
            pltpu.async_copy(
                table_hbm.at[idx_v.at[slot]], rows_v.at[slot], g_sem.at[slot]
            )

        def wait_gather(i, slot):
            pltpu.make_async_copy(
                table_hbm.at[idx_v.at[slot]], rows_v.at[slot], g_sem.at[slot]
            ).wait()

        def start_writeout(i, slot):
            pltpu.async_copy(
                rows_v.at[slot], out_hbm.at[pidx_v.at[slot]], o_sem.at[slot]
            )

        def wait_writeout(i, slot):
            pltpu.make_async_copy(
                rows_v.at[slot], out_hbm.at[pidx_v.at[slot]], o_sem.at[slot]
            ).wait()

        for i in range(_LOOKAHEAD):
            start_gather(i, i % _NBUF)

        def group(g, carry):
            for b in range(_NBUF):
                i = g * _NBUF + b
                j_slot = (b + _LOOKAHEAD) % _NBUF
                prev = i + _LOOKAHEAD - _NBUF

                @pl.when(prev >= 0)
                def _():
                    wait_writeout(prev, j_slot)

                @pl.when(i + _LOOKAHEAD < n_chunks)
                def _():
                    start_gather(i + _LOOKAHEAD, j_slot)

                wait_gather(i, b)
                start_writeout(i, b)
            return carry

        lax.fori_loop(0, n_groups, group, 0)

        for k in range(_NBUF - _LOOKAHEAD):
            i = n_chunks - (_NBUF - _LOOKAHEAD) + k
            wait_writeout(i, i % _NBUF)

    return body


def kernel(indices, vectors):
    B, S = indices.shape
    V, D = vectors.shape
    N = B * S
    info = plsc.get_sparse_core_info()
    n_workers = info.num_cores * info.num_subcores
    table2 = (
        jnp.zeros((V, 128), jnp.float32).at[:, :D].set(vectors).reshape(2 * V, D)
    )
    flat_idx = 2 * indices.reshape(N).astype(jnp.int32)
    n = jnp.arange(N, dtype=jnp.int32)
    pidx = 2 * ((n // S) * _SEQ_PAD + n % S)
    out2 = _gather_kernel(N, 2 * V, n_workers)(flat_idx, pidx, table2)
    return out2.reshape(B, _SEQ_PAD, 128)[:, :S, :D]

# --- scband reference (transcript-rebuilt; emitter-appended) ---
"""Pipeline reference for scband-word-embedding-75840532512846 (READ-ONLY COPY).

The authoritative reference and input builder live on the scoring server;
editing this copy changes nothing except your own understanding.
"""

import jax, jax.numpy as jnp
import numpy as np

VOCAB = 1_000_000
DIM = 64
BATCH = 16384
SEQ = 50


def setup_inputs(seed: int = 0) -> dict:
    key = jax.random.key(seed)
    k1, k2 = jax.random.split(key)
    # Learned/loaded embedding table; the original module L2-normalizes rows at init
    # (tensor_norm with dim=1), so we materialize the table already unit-normalized.
    vectors = jax.random.normal(k1, (VOCAB, DIM), dtype=jnp.float32)
    norms = jnp.sqrt(jnp.sum(vectors * vectors, axis=1, keepdims=True))
    vectors = vectors / jnp.maximum(norms, 1e-12)
    # word2idx lookup of a batch of tokenized words reduces to integer indices.
    indices = jax.random.randint(k2, (BATCH, SEQ), 0, VOCAB, dtype=jnp.int64 if jax.config.jax_enable_x64 else jnp.int32)
    return {"indices": indices, "vectors": vectors}


def reference(indices, vectors):
    # Faithful to WordEmbedding.__call__ in inference mode (train_WE == 0):
    #   idxs = [word2idx[w] for w in words]; return self.vectors[idxs, :]
    # i.e. a plain row-gather from the (unit-normalized) embedding table.
    return jnp.take(vectors, indices, axis=0)

if __name__ == "__main__":
    import jax
    _d = setup_inputs()
    print(jax.jit(kernel)(*tuple(_d.values())))

</pallas_src>

<mosaic_0001>
#map = affine_map<(d0, d1) -> (0)>
#map1 = affine_map<(d0, d1) -> (0, 0)>
module attributes {stable_mosaic.version = 14 : i64} {
  func.func @body(%arg0: i32, %arg1: i32, %arg2: memref<819200xi32, #tpu.memory_space<hbm>>, %arg3: memref<819200xi32, #tpu.memory_space<hbm>>, %arg4: memref<2000000x64xf32, #tpu.memory_space<hbm>>, %arg5: memref<1835008x64xf32, #tpu.memory_space<hbm>>, %arg6: memref<4x400xi32, #tpu.memory_space<vmem>>, %arg7: memref<4x400xi32, #tpu.memory_space<vmem>>, %arg8: memref<4x400x64xf32, #tpu.memory_space<vmem>>, %arg9: memref<4x!tpu.dma_semaphore, #tpu.memory_space<semaphore_mem>>, %arg10: memref<4x!tpu.dma_semaphore, #tpu.memory_space<semaphore_mem>>) attributes {dimension_semantics = [#tpu.dimension_semantics<core_parallel>, #tpu.dimension_semantics<subcore_parallel>], iteration_bounds = array<i64: 2, 16>, scalar_prefetch = 0 : i64, scratch_operands = 5 : i64, tpu.core_type = #tpu.core_type<sc_vector_subcore>, window_params = [{transform_indices = #map}, {transform_indices = #map}, {transform_indices = #map1}, {transform_indices = #map1}]} {
    %mul3A = arith.constant 2 : i32
    %mul3A_0 = arith.muli %arg1, %mul3A : i32
    %add3A = arith.addi %mul3A_0, %arg0 : i32
    %mul3A_1 = arith.constant 25600 : i32
    %mul3A_2 = arith.muli %add3A, %mul3A_1 : i32
    %add3A_3 = arith.constant 0 : i32
    %add3A_4 = arith.addi %mul3A_2, %add3A_3 : i32
    %run_scoped3A = arith.constant 0 : i32
    "tpu.region"() ({
      %run_scoped3A_73 = tpu.sem_alloc : memref<!tpu.dma_semaphore, #tpu.memory_space<semaphore_mem>>
      %dma_start3A_74 = arith.constant 0 : i32
      %dma_start3A_75 = tpu.memref_slice %arg6[%run_scoped3A, %dma_start3A_74] : memref<4x400xi32, #tpu.memory_space<vmem>> -> memref<1x400xi32, #tpu.memory_space<vmem>>
      %dma_start3A_76 = tpu.memref_squeeze %dma_start3A_75 : memref<1x400xi32, #tpu.memory_space<vmem>> -> memref<400xi32, #tpu.memory_space<vmem>>
      %dma_start3A_77 = tpu.memref_slice %arg2[%add3A_4] : memref<819200xi32, #tpu.memory_space<hbm>> -> memref<400xi32, #tpu.memory_space<hbm>>
      %dma_start3A_78 = arith.constant 0 : i32
      %dma_start3A_79 = tpu.memref_slice %arg6[%run_scoped3A, %dma_start3A_78] : memref<4x400xi32, #tpu.memory_space<vmem>> -> memref<1x400xi32, #tpu.memory_space<vmem>>
      %dma_start3A_80 = tpu.memref_squeeze %dma_start3A_79 : memref<1x400xi32, #tpu.memory_space<vmem>> -> memref<400xi32, #tpu.memory_space<vmem>>
      %dma_start3A_81 = tpu.memref_slice %arg2[%add3A_4] : memref<819200xi32, #tpu.memory_space<hbm>> -> memref<400xi32, #tpu.memory_space<hbm>>
      tpu.enqueue_dma source(%dma_start3A_81 : memref<400xi32, #tpu.memory_space<hbm>>) target(%dma_start3A_80 : memref<400xi32, #tpu.memory_space<vmem>>) target_semaphore(%run_scoped3A_73 : memref<!tpu.dma_semaphore, #tpu.memory_space<semaphore_mem>>)
      %dma_wait3A_82 = arith.constant 0 : i32
      %dma_wait3A_83 = tpu.memref_slice %arg6[%run_scoped3A, %dma_wait3A_82] : memref<4x400xi32, #tpu.memory_space<vmem>> -> memref<1x400xi32, #tpu.memory_space<vmem>>
      %dma_wait3A_84 = tpu.memref_squeeze %dma_wait3A_83 : memref<1x400xi32, #tpu.memory_space<vmem>> -> memref<400xi32, #tpu.memory_space<vmem>>
      %dma_wait3A_85 = tpu.memref_slice %arg2[%add3A_4] : memref<819200xi32, #tpu.memory_space<hbm>> -> memref<400xi32, #tpu.memory_space<hbm>>
      %dma_wait3A_86 = arith.constant 0 : i32
      %dma_wait3A_87 = tpu.memref_slice %arg6[%run_scoped3A, %dma_wait3A_86] : memref<4x400xi32, #tpu.memory_space<vmem>> -> memref<1x400xi32, #tpu.memory_space<vmem>>
      %dma_wait3A_88 = tpu.memref_squeeze %dma_wait3A_87 : memref<1x400xi32, #tpu.memory_space<vmem>> -> memref<400xi32, #tpu.memory_space<vmem>>
      %dma_wait3A_89 = tpu.memref_slice %arg2[%add3A_4] : memref<819200xi32, #tpu.memory_space<hbm>> -> memref<400xi32, #tpu.memory_space<hbm>>
      tpu.wait_dma2 semaphore(%run_scoped3A_73 : memref<!tpu.dma_semaphore, #tpu.memory_space<semaphore_mem>>) src(%dma_wait3A_89 : memref<400xi32, #tpu.memory_space<hbm>>) dst(%dma_wait3A_88 : memref<400xi32, #tpu.memory_space<vmem>>)
      tpu.yield
    }) : () -> ()
    %run_scoped3A_5 = arith.constant 0 : i32
    "tpu.region"() ({
      %run_scoped3A_73 = tpu.sem_alloc : memref<!tpu.dma_semaphore, #tpu.memory_space<semaphore_mem>>
      %dma_start3A_74 = arith.constant 0 : i32
      %dma_start3A_75 = tpu.memref_slice %arg7[%run_scoped3A_5, %dma_start3A_74] : memref<4x400xi32, #tpu.memory_space<vmem>> -> memref<1x400xi32, #tpu.memory_space<vmem>>
      %dma_start3A_76 = tpu.memref_squeeze %dma_start3A_75 : memref<1x400xi32, #tpu.memory_space<vmem>> -> memref<400xi32, #tpu.memory_space<vmem>>
      %dma_start3A_77 = tpu.memref_slice %arg3[%add3A_4] : memref<819200xi32, #tpu.memory_space<hbm>> -> memref<400xi32, #tpu.memory_space<hbm>>
      %dma_start3A_78 = arith.constant 0 : i32
      %dma_start3A_79 = tpu.memref_slice %arg7[%run_scoped3A_5, %dma_start3A_78] : memref<4x400xi32, #tpu.memory_space<vmem>> -> memref<1x400xi32, #tpu.memory_space<vmem>>
      %dma_start3A_80 = tpu.memref_squeeze %dma_start3A_79 : memref<1x400xi32, #tpu.memory_space<vmem>> -> memref<400xi32, #tpu.memory_space<vmem>>
      %dma_start3A_81 = tpu.memref_slice %arg3[%add3A_4] : memref<819200xi32, #tpu.memory_space<hbm>> -> memref<400xi32, #tpu.memory_space<hbm>>
      tpu.enqueue_dma source(%dma_start3A_81 : memref<400xi32, #tpu.memory_space<hbm>>) target(%dma_start3A_80 : memref<400xi32, #tpu.memory_space<vmem>>) target_semaphore(%run_scoped3A_73 : memref<!tpu.dma_semaphore, #tpu.memory_space<semaphore_mem>>)
      %dma_wait3A_82 = arith.constant 0 : i32
      %dma_wait3A_83 = tpu.memref_slice %arg7[%run_scoped3A_5, %dma_wait3A_82] : memref<4x400xi32, #tpu.memory_space<vmem>> -> memref<1x400xi32, #tpu.memory_space<vmem>>
      %dma_wait3A_84 = tpu.memref_squeeze %dma_wait3A_83 : memref<1x400xi32, #tpu.memory_space<vmem>> -> memref<400xi32, #tpu.memory_space<vmem>>
      %dma_wait3A_85 = tpu.memref_slice %arg3[%add3A_4] : memref<819200xi32, #tpu.memory_space<hbm>> -> memref<400xi32, #tpu.memory_space<hbm>>
      %dma_wait3A_86 = arith.constant 0 : i32
      %dma_wait3A_87 = tpu.memref_slice %arg7[%run_scoped3A_5, %dma_wait3A_86] : memref<4x400xi32, #tpu.memory_space<vmem>> -> memref<1x400xi32, #tpu.memory_space<vmem>>
      %dma_wait3A_88 = tpu.memref_squeeze %dma_wait3A_87 : memref<1x400xi32, #tpu.memory_space<vmem>> -> memref<400xi32, #tpu.memory_space<vmem>>
      %dma_wait3A_89 = tpu.memref_slice %arg3[%add3A_4] : memref<819200xi32, #tpu.memory_space<hbm>> -> memref<400xi32, #tpu.memory_space<hbm>>
      tpu.wait_dma2 semaphore(%run_scoped3A_73 : memref<!tpu.dma_semaphore, #tpu.memory_space<semaphore_mem>>) src(%dma_wait3A_89 : memref<400xi32, #tpu.memory_space<hbm>>) dst(%dma_wait3A_88 : memref<400xi32, #tpu.memory_space<vmem>>)
      tpu.yield
    }) : () -> ()
    %dma_start3A = arith.constant 0 : i32
    %dma_start3A_6 = arith.constant 0 : i32
    %dma_start3A_7 = arith.constant 0 : i32
    %dma_start3A_8 = arith.constant 0 : i32
    %dma_start3A_9 = arith.constant 0 : i32
    %dma_start3A_10 = tpu.memref_slice %arg8[%dma_start3A_6, %dma_start3A_8, %dma_start3A_9] : memref<4x400x64xf32, #tpu.memory_space<vmem>> -> memref<1x400x64xf32, #tpu.memory_space<vmem>>
    %dma_start3A_11 = tpu.memref_squeeze %dma_start3A_10 : memref<1x400x64xf32, #tpu.memory_space<vmem>> -> memref<400x64xf32, #tpu.memory_space<vmem>>
    %dma_start3A_12 = arith.constant 0 : i32
    %dma_start3A_13 = tpu.memref_slice %arg6[%dma_start3A, %dma_start3A_12] : memref<4x400xi32, #tpu.memory_space<vmem>> -> memref<1x400xi32, #tpu.memory_space<vmem>>
    %dma_start3A_14 = tpu.memref_squeeze %dma_start3A_13 : memref<1x400xi32, #tpu.memory_space<vmem>> -> memref<400xi32, #tpu.memory_space<vmem>>
    %dma_start3A_15 = arith.constant 0 : i32
    %dma_start3A_16 = arith.constant 0 : i32
    %dma_start3A_17 = tpu.memref_slice %arg4[%dma_start3A_15, %dma_start3A_16] : memref<2000000x64xf32, #tpu.memory_space<hbm>> -> memref<2000000x64xf32, #tpu.memory_space<hbm>>
    %dma_start3A_18 = tpu.memref_slice %arg9[%dma_start3A_7] : memref<4x!tpu.dma_semaphore, #tpu.memory_space<semaphore_mem>> -> memref<1x!tpu.dma_semaphore, #tpu.memory_space<semaphore_mem>>
    %dma_start3A_19 = tpu.memref_squeeze %dma_start3A_18 : memref<1x!tpu.dma_semaphore, #tpu.memory_space<semaphore_mem>> -> memref<!tpu.dma_semaphore, #tpu.memory_space<semaphore_mem>>
    tpu.enqueue_indirect_dma source(%dma_start3A_17 : memref<2000000x64xf32, #tpu.memory_space<hbm>>) target(%dma_start3A_11 : memref<400x64xf32, #tpu.memory_space<vmem>>) offsets(%dma_start3A_14 : memref<400xi32, #tpu.memory_space<vmem>>) semaphore(%dma_start3A_19 : memref<!tpu.dma_semaphore, #tpu.memory_space<semaphore_mem>>)
    %add3A_20 = arith.constant 400 : i32
    %add3A_21 = arith.addi %mul3A_2, %add3A_20 : i32
    %run_scoped3A_22 = arith.constant 1 : i32
    "tpu.region"() ({
      %run_scoped3A_73 = tpu.sem_alloc : memref<!tpu.dma_semaphore, #tpu.memory_space<semaphore_mem>>
      %dma_start3A_74 = arith.constant 0 : i32
      %dma_start3A_75 = tpu.memref_slice %arg6[%run_scoped3A_22, %dma_start3A_74] : memref<4x400xi32, #tpu.memory_space<vmem>> -> memref<1x400xi32, #tpu.memory_space<vmem>>
      %dma_start3A_76 = tpu.memref_squeeze %dma_start3A_75 : memref<1x400xi32, #tpu.memory_space<vmem>> -> memref<400xi32, #tpu.memory_space<vmem>>
      %dma_start3A_77 = tpu.memref_slice %arg2[%add3A_21] : memref<819200xi32, #tpu.memory_space<hbm>> -> memref<400xi32, #tpu.memory_space<hbm>>
      %dma_start3A_78 = arith.constant 0 : i32
      %dma_start3A_79 = tpu.memref_slice %arg6[%run_scoped3A_22, %dma_start3A_78] : memref<4x400xi32, #tpu.memory_space<vmem>> -> memref<1x400xi32, #tpu.memory_space<vmem>>
      %dma_start3A_80 = tpu.memref_squeeze %dma_start3A_79 : memref<1x400xi32, #tpu.memory_space<vmem>> -> memref<400xi32, #tpu.memory_space<vmem>>
      %dma_start3A_81 = tpu.memref_slice %arg2[%add3A_21] : memref<819200xi32, #tpu.memory_space<hbm>> -> memref<400xi32, #tpu.memory_space<hbm>>
      tpu.enqueue_dma source(%dma_start3A_81 : memref<400xi32, #tpu.memory_space<hbm>>) target(%dma_start3A_80 : memref<400xi32, #tpu.memory_space<vmem>>) target_semaphore(%run_scoped3A_73 : memref<!tpu.dma_semaphore, #tpu.memory_space<semaphore_mem>>)
      %dma_wait3A_82 = arith.constant 0 : i32
      %dma_wait3A_83 = tpu.memref_slice %arg6[%run_scoped3A_22, %dma_wait3A_82] : memref<4x400xi32, #tpu.memory_space<vmem>> -> memref<1x400xi32, #tpu.memory_space<vmem>>
      %dma_wait3A_84 = tpu.memref_squeeze %dma_wait3A_83 : memref<1x400xi32, #tpu.memory_space<vmem>> -> memref<400xi32, #tpu.memory_space<vmem>>
      %dma_wait3A_85 = tpu.memref_slice %arg2[%add3A_21] : memref<819200xi32, #tpu.memory_space<hbm>> -> memref<400xi32, #tpu.memory_space<hbm>>
      %dma_wait3A_86 = arith.constant 0 : i32
      %dma_wait3A_87 = tpu.memref_slice %arg6[%run_scoped3A_22, %dma_wait3A_86] : memref<4x400xi32, #tpu.memory_space<vmem>> -> memref<1x400xi32, #tpu.memory_space<vmem>>
      %dma_wait3A_88 = tpu.memref_squeeze %dma_wait3A_87 : memref<1x400xi32, #tpu.memory_space<vmem>> -> memref<400xi32, #tpu.memory_space<vmem>>
      %dma_wait3A_89 = tpu.memref_slice %arg2[%add3A_21] : memref<819200xi32, #tpu.memory_space<hbm>> -> memref<400xi32, #tpu.memory_space<hbm>>
      tpu.wait_dma2 semaphore(%run_scoped3A_73 : memref<!tpu.dma_semaphore, #tpu.memory_space<semaphore_mem>>) src(%dma_wait3A_89 : memref<400xi32, #tpu.memory_space<hbm>>) dst(%dma_wait3A_88 : memref<400xi32, #tpu.memory_space<vmem>>)
      tpu.yield
    }) : () -> ()
    %run_scoped3A_23 = arith.constant 1 : i32
    "tpu.region"() ({
      %run_scoped3A_73 = tpu.sem_alloc : memref<!tpu.dma_semaphore, #tpu.memory_space<semaphore_mem>>
      %dma_start3A_74 = arith.constant 0 : i32
      %dma_start3A_75 = tpu.memref_slice %arg7[%run_scoped3A_23, %dma_start3A_74] : memref<4x400xi32, #tpu.memory_space<vmem>> -> memref<1x400xi32, #tpu.memory_space<vmem>>
      %dma_start3A_76 = tpu.memref_squeeze %dma_start3A_75 : memref<1x400xi32, #tpu.memory_space<vmem>> -> memref<400xi32, #tpu.memory_space<vmem>>
      %dma_start3A_77 = tpu.memref_slice %arg3[%add3A_21] : memref<819200xi32, #tpu.memory_space<hbm>> -> memref<400xi32, #tpu.memory_space<hbm>>
      %dma_start3A_78 = arith.constant 0 : i32
      %dma_start3A_79 = tpu.memref_slice %arg7[%run_scoped3A_23, %dma_start3A_78] : memref<4x400xi32, #tpu.memory_space<vmem>> -> memref<1x400xi32, #tpu.memory_space<vmem>>
      %dma_start3A_80 = tpu.memref_squeeze %dma_start3A_79 : memref<1x400xi32, #tpu.memory_space<vmem>> -> memref<400xi32, #tpu.memory_space<vmem>>
      %dma_start3A_81 = tpu.memref_slice %arg3[%add3A_21] : memref<819200xi32, #tpu.memory_space<hbm>> -> memref<400xi32, #tpu.memory_space<hbm>>
      tpu.enqueue_dma source(%dma_start3A_81 : memref<400xi32, #tpu.memory_space<hbm>>) target(%dma_start3A_80 : memref<400xi32, #tpu.memory_space<vmem>>) target_semaphore(%run_scoped3A_73 : memref<!tpu.dma_semaphore, #tpu.memory_space<semaphore_mem>>)
      %dma_wait3A_82 = arith.constant 0 : i32
      %dma_wait3A_83 = tpu.memref_slice %arg7[%run_scoped3A_23, %dma_wait3A_82] : memref<4x400xi32, #tpu.memory_space<vmem>> -> memref<1x400xi32, #tpu.memory_space<vmem>>
      %dma_wait3A_84 = tpu.memref_squeeze %dma_wait3A_83 : memref<1x400xi32, #tpu.memory_space<vmem>> -> memref<400xi32, #tpu.memory_space<vmem>>
      %dma_wait3A_85 = tpu.memref_slice %arg3[%add3A_21] : memref<819200xi32, #tpu.memory_space<hbm>> -> memref<400xi32, #tpu.memory_space<hbm>>
      %dma_wait3A_86 = arith.constant 0 : i32
      %dma_wait3A_87 = tpu.memref_slice %arg7[%run_scoped3A_23, %dma_wait3A_86] : memref<4x400xi32, #tpu.memory_space<vmem>> -> memref<1x400xi32, #tpu.memory_space<vmem>>
      %dma_wait3A_88 = tpu.memref_squeeze %dma_wait3A_87 : memref<1x400xi32, #tpu.memory_space<vmem>> -> memref<400xi32, #tpu.memory_space<vmem>>
      %dma_wait3A_89 = tpu.memref_slice %arg3[%add3A_21] : memref<819200xi32, #tpu.memory_space<hbm>> -> memref<400xi32, #tpu.memory_space<hbm>>
      tpu.wait_dma2 semaphore(%run_scoped3A_73 : memref<!tpu.dma_semaphore, #tpu.memory_space<semaphore_mem>>) src(%dma_wait3A_89 : memref<400xi32, #tpu.memory_space<hbm>>) dst(%dma_wait3A_88 : memref<400xi32, #tpu.memory_space<vmem>>)
      tpu.yield
    }) : () -> ()
    %dma_start3A_24 = arith.constant 1 : i32
    %dma_start3A_25 = arith.constant 1 : i32
    %dma_start3A_26 = arith.constant 1 : i32
    %dma_start3A_27 = arith.constant 0 : i32
    %dma_start3A_28 = arith.constant 0 : i32
    %dma_start3A_29 = tpu.memref_slice %arg8[%dma_start3A_25, %dma_start3A_27, %dma_start3A_28] : memref<4x400x64xf32, #tpu.memory_space<vmem>> -> memref<1x400x64xf32, #tpu.memory_space<vmem>>
    %dma_start3A_30 = tpu.memref_squeeze %dma_start3A_29 : memref<1x400x64xf32, #tpu.memory_space<vmem>> -> memref<400x64xf32, #tpu.memory_space<vmem>>
    %dma_start3A_31 = arith.constant 0 : i32
    %dma_start3A_32 = tpu.memref_slice %arg6[%dma_start3A_24, %dma_start3A_31] : memref<4x400xi32, #tpu.memory_space<vmem>> -> memref<1x400xi32, #tpu.memory_space<vmem>>
    %dma_start3A_33 = tpu.memref_squeeze %dma_start3A_32 : memref<1x400xi32, #tpu.memory_space<vmem>> -> memref<400xi32, #tpu.memory_space<vmem>>
    %dma_start3A_34 = arith.constant 0 : i32
    %dma_start3A_35 = arith.constant 0 : i32
    %dma_start3A_36 = tpu.memref_slice %arg4[%dma_start3A_34, %dma_start3A_35] : memref<2000000x64xf32, #tpu.memory_space<hbm>> -> memref<2000000x64xf32, #tpu.memory_space<hbm>>
    %dma_start3A_37 = tpu.memref_slice %arg9[%dma_start3A_26] : memref<4x!tpu.dma_semaphore, #tpu.memory_space<semaphore_mem>> -> memref<1x!tpu.dma_semaphore, #tpu.memory_space<semaphore_mem>>
    %dma_start3A_38 = tpu.memref_squeeze %dma_start3A_37 : memref<1x!tpu.dma_semaphore, #tpu.memory_space<semaphore_mem>> -> memref<!tpu.dma_semaphore, #tpu.memory_space<semaphore_mem>>
    tpu.enqueue_indirect_dma source(%dma_start3A_36 : memref<2000000x64xf32, #tpu.memory_space<hbm>>) target(%dma_start3A_30 : memref<400x64xf32, #tpu.memory_space<vmem>>) offsets(%dma_start3A_33 : memref<400xi32, #tpu.memory_space<vmem>>) semaphore(%dma_start3A_38 : memref<!tpu.dma_semaphore, #tpu.memory_space<semaphore_mem>>)
    %scan3A = arith.constant 0 : i32
    %scan3A_39 = arith.constant 0 : i32
    %scan3A_40 = arith.constant 16 : i32
    %scan3A_41 = arith.addi %scan3A_39, %scan3A_40 : i32
    %scan3A_42 = arith.constant 1 : i32
    scf.for %scan3A_73 = %scan3A_39 to %scan3A_41 step %scan3A_42  : i32 {
      %mul3A_74 = arith.constant 4 : i32
      %mul3A_75 = arith.muli %scan3A_73, %mul3A_74 : i32
      %add3A_76 = arith.constant 0 : i32
      %add3A_77 = arith.addi %mul3A_75, %add3A_76 : i32
      %add3A_78 = arith.constant 2 : i32
      %add3A_79 = arith.addi %add3A_77, %add3A_78 : i32
      %sub3A = arith.constant 4 : i32
      %sub3A_80 = arith.subi %add3A_79, %sub3A : i32
      %ge3A = arith.constant 0 : i32
      %ge3A_81 = arith.cmpi sge, %sub3A_80, %ge3A : i32
      %convert_element_type3A = arith.extui %ge3A_81 : i1 to i32
      %cond3A = arith.constant 0 : i32
      %cond3A_82 = arith.cmpi ne, %convert_element_type3A, %cond3A : i32
      scf.if %cond3A_82 {
        %dma_wait3A_269 = arith.constant 2 : i32
        %dma_wait3A_270 = arith.constant 2 : i32
        %dma_wait3A_271 = arith.constant 2 : i32
        %dma_wait3A_272 = arith.constant 0 : i32
        %dma_wait3A_273 = arith.constant 0 : i32
        %dma_wait3A_274 = tpu.memref_slice %arg8[%dma_wait3A_269, %dma_wait3A_272, %dma_wait3A_273] : memref<4x400x64xf32, #tpu.memory_space<vmem>> -> memref<1x400x64xf32, #tpu.memory_space<vmem>>
        %dma_wait3A_275 = tpu.memref_squeeze %dma_wait3A_274 : memref<1x400x64xf32, #tpu.memory_space<vmem>> -> memref<400x64xf32, #tpu.memory_space<vmem>>
        %dma_wait3A_276 = arith.constant 0 : i32
        %dma_wait3A_277 = tpu.memref_slice %arg7[%dma_wait3A_270, %dma_wait3A_276] : memref<4x400xi32, #tpu.memory_space<vmem>> -> memref<1x400xi32, #tpu.memory_space<vmem>>
        %dma_wait3A_278 = tpu.memref_squeeze %dma_wait3A_277 : memref<1x400xi32, #tpu.memory_space<vmem>> -> memref<400xi32, #tpu.memory_space<vmem>>
        %dma_wait3A_279 = arith.constant 0 : i32
        %dma_wait3A_280 = arith.constant 0 : i32
        %dma_wait3A_281 = tpu.memref_slice %arg5[%dma_wait3A_279, %dma_wait3A_280] : memref<1835008x64xf32, #tpu.memory_space<hbm>> -> memref<1835008x64xf32, #tpu.memory_space<hbm>>
        %dma_wait3A_282 = tpu.memref_slice %arg10[%dma_wait3A_271] : memref<4x!tpu.dma_semaphore, #tpu.memory_space<semaphore_mem>> -> memref<1x!tpu.dma_semaphore, #tpu.memory_space<semaphore_mem>>
        %dma_wait3A_283 = tpu.memref_squeeze %dma_wait3A_282 : memref<1x!tpu.dma_semaphore, #tpu.memory_space<semaphore_mem>> -> memref<!tpu.dma_semaphore, #tpu.memory_space<semaphore_mem>>
        tpu.wait_indirect_dma semaphore(%dma_wait3A_283 : memref<!tpu.dma_semaphore, #tpu.memory_space<semaphore_mem>>) src(%dma_wait3A_275 : memref<400x64xf32, #tpu.memory_space<vmem>>) dst(%dma_wait3A_281 : memref<1835008x64xf32, #tpu.memory_space<hbm>>)
      } else {
      }
      %add3A_83 = arith.constant 2 : i32
      %add3A_84 = arith.addi %add3A_77, %add3A_83 : i32
      %lt3A = arith.constant 64 : i32
      %lt3A_85 = arith.cmpi slt, %add3A_84, %lt3A : i32
      %convert_element_type3A_86 = arith.extui %lt3A_85 : i1 to i32
      %cond3A_87 = arith.constant 0 : i32
      %cond3A_88 = arith.cmpi ne, %convert_element_type3A_86, %cond3A_87 : i32
      scf.if %cond3A_88 {
        %add3A_269 = arith.constant 2 : i32
        %add3A_270 = arith.addi %add3A_77, %add3A_269 : i32
        %mul3A_271 = arith.constant 400 : i32
        %mul3A_272 = arith.muli %add3A_270, %mul3A_271 : i32
        %add3A_273 = arith.addi %mul3A_2, %mul3A_272 : i32
        %run_scoped3A_274 = arith.constant 2 : i32
        "tpu.region"() ({
          %run_scoped3A_291 = tpu.sem_alloc : memref<!tpu.dma_semaphore, #tpu.memory_space<semaphore_mem>>
          %dma_start3A_292 = arith.constant 0 : i32
          %dma_start3A_293 = tpu.memref_slice %arg6[%run_scoped3A_274, %dma_start3A_292] : memref<4x400xi32, #tpu.memory_space<vmem>> -> memref<1x400xi32, #tpu.memory_space<vmem>>
          %dma_start3A_294 = tpu.memref_squeeze %dma_start3A_293 : memref<1x400xi32, #tpu.memory_space<vmem>> -> memref<400xi32, #tpu.memory_space<vmem>>
          %dma_start3A_295 = tpu.memref_slice %arg2[%add3A_273] : memref<819200xi32, #tpu.memory_space<hbm>> -> memref<400xi32, #tpu.memory_space<hbm>>
          %dma_start3A_296 = arith.constant 0 : i32
          %dma_start3A_297 = tpu.memref_slice %arg6[%run_scoped3A_274, %dma_start3A_296] : memref<4x400xi32, #tpu.memory_space<vmem>> -> memref<1x400xi32, #tpu.memory_space<vmem>>
          %dma_start3A_298 = tpu.memref_squeeze %dma_start3A_297 : memref<1x400xi32, #tpu.memory_space<vmem>> -> memref<400xi32, #tpu.memory_space<vmem>>
          %dma_start3A_299 = tpu.memref_slice %arg2[%add3A_273] : memref<819200xi32, #tpu.memory_space<hbm>> -> memref<400xi32, #tpu.memory_space<hbm>>
          tpu.enqueue_dma source(%dma_start3A_299 : memref<400xi32, #tpu.memory_space<hbm>>) target(%dma_start3A_298 : memref<400xi32, #tpu.memory_space<vmem>>) target_semaphore(%run_scoped3A_291 : memref<!tpu.dma_semaphore, #tpu.memory_space<semaphore_mem>>)
          %dma_wait3A_300 = arith.constant 0 : i32
          %dma_wait3A_301 = tpu.memref_slice %arg6[%run_scoped3A_274, %dma_wait3A_300] : memref<4x400xi32, #tpu.memory_space<vmem>> -> memref<1x400xi32, #tpu.memory_space<vmem>>
          %dma_wait3A_302 = tpu.memref_squeeze %dma_wait3A_301 : memref<1x400xi32, #tpu.memory_space<vmem>> -> memref<400xi32, #tpu.memory_space<vmem>>
          %dma_wait3A_303 = tpu.memref_slice %arg2[%add3A_273] : memref<819200xi32, #tpu.memory_space<hbm>> -> memref<400xi32, #tpu.memory_space<hbm>>
          %dma_wait3A_304 = arith.constant 0 : i32
          %dma_wait3A_305 = tpu.memref_slice %arg6[%run_scoped3A_274, %dma_wait3A_304] : memref<4x400xi32, #tpu.memory_space<vmem>> -> memref<1x400xi32, #tpu.memory_space<vmem>>
          %dma_wait3A_306 = tpu.memref_squeeze %dma_wait3A_305 : memref<1x400xi32, #tpu.memory_space<vmem>> -> memref<400xi32, #tpu.memory_space<vmem>>
          %dma_wait3A_307 = tpu.memref_slice %arg2[%add3A_273] : memref<819200xi32, #tpu.memory_space<hbm>> -> memref<400xi32, #tpu.memory_space<hbm>>
          tpu.wait_dma2 semaphore(%run_scoped3A_291 : memref<!tpu.dma_semaphore, #tpu.memory_space<semaphore_mem>>) src(%dma_wait3A_307 : memref<400xi32, #tpu.memory_space<hbm>>) dst(%dma_wait3A_306 : memref<400xi32, #tpu.memory_space<vmem>>)
          tpu.yield
        }) : () -> ()
        %run_scoped3A_275 = arith.constant 2 : i32
        "tpu.region"() ({
          %run_scoped3A_291 = tpu.sem_alloc : memref<!tpu.dma_semaphore, #tpu.memory_space<semaphore_mem>>
          %dma_start3A_292 = arith.constant 0 : i32
          %dma_start3A_293 = tpu.memref_slice %arg7[%run_scoped3A_275, %dma_start3A_292] : memref<4x400xi32, #tpu.memory_space<vmem>> -> memref<1x400xi32, #tpu.memory_space<vmem>>
          %dma_start3A_294 = tpu.memref_squeeze %dma_start3A_293 : memref<1x400xi32, #tpu.memory_space<vmem>> -> memref<400xi32, #tpu.memory_space<vmem>>
          %dma_start3A_295 = tpu.memref_slice %arg3[%add3A_273] : memref<819200xi32, #tpu.memory_space<hbm>> -> memref<400xi32, #tpu.memory_space<hbm>>
          %dma_start3A_296 = arith.constant 0 : i32
          %dma_start3A_297 = tpu.memref_slice %arg7[%run_scoped3A_275, %dma_start3A_296] : memref<4x400xi32, #tpu.memory_space<vmem>> -> memref<1x400xi32, #tpu.memory_space<vmem>>
          %dma_start3A_298 = tpu.memref_squeeze %dma_start3A_297 : memref<1x400xi32, #tpu.memory_space<vmem>> -> memref<400xi32, #tpu.memory_space<vmem>>
          %dma_start3A_299 = tpu.memref_slice %arg3[%add3A_273] : memref<819200xi32, #tpu.memory_space<hbm>> -> memref<400xi32, #tpu.memory_space<hbm>>
          tpu.enqueue_dma source(%dma_start3A_299 : memref<400xi32, #tpu.memory_space<hbm>>) target(%dma_start3A_298 : memref<400xi32, #tpu.memory_space<vmem>>) target_semaphore(%run_scoped3A_291 : memref<!tpu.dma_semaphore, #tpu.memory_space<semaphore_mem>>)
          %dma_wait3A_300 = arith.constant 0 : i32
          %dma_wait3A_301 = tpu.memref_slice %arg7[%run_scoped3A_275, %dma_wait3A_300] : memref<4x400xi32, #tpu.memory_space<vmem>> -> memref<1x400xi32, #tpu.memory_space<vmem>>
          %dma_wait3A_302 = tpu.memref_squeeze %dma_wait3A_301 : memref<1x400xi32, #tpu.memory_space<vmem>> -> memref<400xi32, #tpu.memory_space<vmem>>
          %dma_wait3A_303 = tpu.memref_slice %arg3[%add3A_273] : memref<819200xi32, #tpu.memory_space<hbm>> -> memref<400xi32, #tpu.memory_space<hbm>>
          %dma_wait3A_304 = arith.constant 0 : i32
          %dma_wait3A_305 = tpu.memref_slice %arg7[%run_scoped3A_275, %dma_wait3A_304] : memref<4x400xi32, #tpu.memory_space<vmem>> -> memref<1x400xi32, #tpu.memory_space<vmem>>
          %dma_wait3A_306 = tpu.memref_squeeze %dma_wait3A_305 : memref<1x400xi32, #tpu.memory_space<vmem>> -> memref<400xi32, #tpu.memory_space<vmem>>
          %dma_wait3A_307 = tpu.memref_slice %arg3[%add3A_273] : memref<819200xi32, #tpu.memory_space<hbm>> -> memref<400xi32, #tpu.memory_space<hbm>>
          tpu.wait_dma2 semaphore(%run_scoped3A_291 : memref<!tpu.dma_semaphore, #tpu.memory_space<semaphore_mem>>) src(%dma_wait3A_307 : memref<400xi32, #tpu.memory_space<hbm>>) dst(%dma_wait3A_306 : memref<400xi32, #tpu.memory_space<vmem>>)
          tpu.yield
        }) : () -> ()
        %dma_start3A_276 = arith.constant 2 : i32
        %dma_start3A_277 = arith.constant 2 : i32
        %dma_start3A_278 = arith.constant 2 : i32
        %dma_start3A_279 = arith.constant 0 : i32
        %dma_start3A_280 = arith.constant 0 : i32
        %dma_start3A_281 = tpu.memref_slice %arg8[%dma_start3A_277, %dma_start3A_279, %dma_start3A_280] : memref<4x400x64xf32, #tpu.memory_space<vmem>> -> memref<1x400x64xf32, #tpu.memory_space<vmem>>
        %dma_start3A_282 = tpu.memref_squeeze %dma_start3A_281 : memref<1x400x64xf32, #tpu.memory_space<vmem>> -> memref<400x64xf32, #tpu.memory_space<vmem>>
        %dma_start3A_283 = arith.constant 0 : i32
        %dma_start3A_284 = tpu.memref_slice %arg6[%dma_start3A_276, %dma_start3A_283] : memref<4x400xi32, #tpu.memory_space<vmem>> -> memref<1x400xi32, #tpu.memory_space<vmem>>
        %dma_start3A_285 = tpu.memref_squeeze %dma_start3A_284 : memref<1x400xi32, #tpu.memory_space<vmem>> -> memref<400xi32, #tpu.memory_space<vmem>>
        %dma_start3A_286 = arith.constant 0 : i32
        %dma_start3A_287 = arith.constant 0 : i32
        %dma_start3A_288 = tpu.memref_slice %arg4[%dma_start3A_286, %dma_start3A_287] : memref<2000000x64xf32, #tpu.memory_space<hbm>> -> memref<2000000x64xf32, #tpu.memory_space<hbm>>
        %dma_start3A_289 = tpu.memref_slice %arg9[%dma_start3A_278] : memref<4x!tpu.dma_semaphore, #tpu.memory_space<semaphore_mem>> -> memref<1x!tpu.dma_semaphore, #tpu.memory_space<semaphore_mem>>
        %dma_start3A_290 = tpu.memref_squeeze %dma_start3A_289 : memref<1x!tpu.dma_semaphore, #tpu.memory_space<semaphore_mem>> -> memref<!tpu.dma_semaphore, #tpu.memory_space<semaphore_mem>>
        tpu.enqueue_indirect_dma source(%dma_start3A_288 : memref<2000000x64xf32, #tpu.memory_space<hbm>>) target(%dma_start3A_282 : memref<400x64xf32, #tpu.memory_space<vmem>>) offsets(%dma_start3A_285 : memref<400xi32, #tpu.memory_space<vmem>>) semaphore(%dma_start3A_290 : memref<!tpu.dma_semaphore, #tpu.memory_space<semaphore_mem>>)
      } else {
      }
      %dma_wait3A_89 = arith.constant 0 : i32
      %dma_wait3A_90 = arith.constant 0 : i32
      %dma_wait3A_91 = arith.constant 0 : i32
      %dma_wait3A_92 = arith.constant 0 : i32
      %dma_wait3A_93 = arith.constant 0 : i32
      %dma_wait3A_94 = tpu.memref_slice %arg8[%dma_wait3A_90, %dma_wait3A_92, %dma_wait3A_93] : memref<4x400x64xf32, #tpu.memory_space<vmem>> -> memref<1x400x64xf32, #tpu.memory_space<vmem>>
      %dma_wait3A_95 = tpu.memref_squeeze %dma_wait3A_94 : memref<1x400x64xf32, #tpu.memory_space<vmem>> -> memref<400x64xf32, #tpu.memory_space<vmem>>
      %dma_wait3A_96 = arith.constant 0 : i32
      %dma_wait3A_97 = tpu.memref_slice %arg6[%dma_wait3A_89, %dma_wait3A_96] : memref<4x400xi32, #tpu.memory_space<vmem>> -> memref<1x400xi32, #tpu.memory_space<vmem>>
      %dma_wait3A_98 = tpu.memref_squeeze %dma_wait3A_97 : memref<1x400xi32, #tpu.memory_space<vmem>> -> memref<400xi32, #tpu.memory_space<vmem>>
      %dma_wait3A_99 = arith.constant 0 : i32
      %dma_wait3A_100 = arith.constant 0 : i32
      %dma_wait3A_101 = tpu.memref_slice %arg4[%dma_wait3A_99, %dma_wait3A_100] : memref<2000000x64xf32, #tpu.memory_space<hbm>> -> memref<2000000x64xf32, #tpu.memory_space<hbm>>
      %dma_wait3A_102 = tpu.memref_slice %arg9[%dma_wait3A_91] : memref<4x!tpu.dma_semaphore, #tpu.memory_space<semaphore_mem>> -> memref<1x!tpu.dma_semaphore, #tpu.memory_space<semaphore_mem>>
      %dma_wait3A_103 = tpu.memref_squeeze %dma_wait3A_102 : memref<1x!tpu.dma_semaphore, #tpu.memory_space<semaphore_mem>> -> memref<!tpu.dma_semaphore, #tpu.memory_space<semaphore_mem>>
      tpu.wait_indirect_dma semaphore(%dma_wait3A_103 : memref<!tpu.dma_semaphore, #tpu.memory_space<semaphore_mem>>) src(%dma_wait3A_101 : memref<2000000x64xf32, #tpu.memory_space<hbm>>) dst(%dma_wait3A_95 : memref<400x64xf32, #tpu.memory_space<vmem>>)
      %dma_start3A_104 = arith.constant 0 : i32
      %dma_start3A_105 = arith.constant 0 : i32
      %dma_start3A_106 = arith.constant 0 : i32
      %dma_start3A_107 = arith.constant 0 : i32
      %dma_start3A_108 = arith.constant 0 : i32
      %dma_start3A_109 = tpu.memref_slice %arg8[%dma_start3A_104, %dma_start3A_107, %dma_start3A_108] : memref<4x400x64xf32, #tpu.memory_space<vmem>> -> memref<1x400x64xf32, #tpu.memory_space<vmem>>
      %dma_start3A_110 = tpu.memref_squeeze %dma_start3A_109 : memref<1x400x64xf32, #tpu.memory_space<vmem>> -> memref<400x64xf32, #tpu.memory_space<vmem>>
      %dma_start3A_111 = arith.constant 0 : i32
      %dma_start3A_112 = tpu.memref_slice %arg7[%dma_start3A_105, %dma_start3A_111] : memref<4x400xi32, #tpu.memory_space<vmem>> -> memref<1x400xi32, #tpu.memory_space<vmem>>
      %dma_start3A_113 = tpu.memref_squeeze %dma_start3A_112 : memref<1x400xi32, #tpu.memory_space<vmem>> -> memref<400xi32, #tpu.memory_space<vmem>>
      %dma_start3A_114 = arith.constant 0 : i32
      %dma_start3A_115 = arith.constant 0 : i32
      %dma_start3A_116 = tpu.memref_slice %arg5[%dma_start3A_114, %dma_start3A_115] : memref<1835008x64xf32, #tpu.memory_space<hbm>> -> memref<1835008x64xf32, #tpu.memory_space<hbm>>
      %dma_start3A_117 = tpu.memref_slice %arg10[%dma_start3A_106] : memref<4x!tpu.dma_semaphore, #tpu.memory_space<semaphore_mem>> -> memref<1x!tpu.dma_semaphore, #tpu.memory_space<semaphore_mem>>
      %dma_start3A_118 = tpu.memref_squeeze %dma_start3A_117 : memref<1x!tpu.dma_semaphore, #tpu.memory_space<semaphore_mem>> -> memref<!tpu.dma_semaphore, #tpu.memory_space<semaphore_mem>>
      tpu.enqueue_indirect_dma source(%dma_start3A_110 : memref<400x64xf32, #tpu.memory_space<vmem>>) target(%dma_start3A_116 : memref<1835008x64xf32, #tpu.memory_space<hbm>>) offsets(%dma_start3A_113 : memref<400xi32, #tpu.memory_space<vmem>>) semaphore(%dma_start3A_118 : memref<!tpu.dma_semaphore, #tpu.memory_space<semaphore_mem>>)
      %mul3A_119 = arith.constant 4 : i32
      %mul3A_120 = arith.muli %scan3A_73, %mul3A_119 : i32
      %add3A_121 = arith.constant 1 : i32
      %add3A_122 = arith.addi %mul3A_120, %add3A_121 : i32
      %add3A_123 = arith.constant 2 : i32
      %add3A_124 = arith.addi %add3A_122, %add3A_123 : i32
      %sub3A_125 = arith.constant 4 : i32
      %sub3A_126 = arith.subi %add3A_124, %sub3A_125 : i32
      %ge3A_127 = arith.constant 0 : i32
      %ge3A_128 = arith.cmpi sge, %sub3A_126, %ge3A_127 : i32
      %convert_element_type3A_129 = arith.extui %ge3A_128 : i1 to i32
      %cond3A_130 = arith.constant 0 : i32
      %cond3A_131 = arith.cmpi ne, %convert_element_type3A_129, %cond3A_130 : i32
      scf.if %cond3A_131 {
        %dma_wait3A_269 = arith.constant 3 : i32
        %dma_wait3A_270 = arith.constant 3 : i32
        %dma_wait3A_271 = arith.constant 3 : i32
        %dma_wait3A_272 = arith.constant 0 : i32
        %dma_wait3A_273 = arith.constant 0 : i32
        %dma_wait3A_274 = tpu.memref_slice %arg8[%dma_wait3A_269, %dma_wait3A_272, %dma_wait3A_273] : memref<4x400x64xf32, #tpu.memory_space<vmem>> -> memref<1x400x64xf32, #tpu.memory_space<vmem>>
        %dma_wait3A_275 = tpu.memref_squeeze %dma_wait3A_274 : memref<1x400x64xf32, #tpu.memory_space<vmem>> -> memref<400x64xf32, #tpu.memory_space<vmem>>
        %dma_wait3A_276 = arith.constant 0 : i32
        %dma_wait3A_277 = tpu.memref_slice %arg7[%dma_wait3A_270, %dma_wait3A_276] : memref<4x400xi32, #tpu.memory_space<vmem>> -> memref<1x400xi32, #tpu.memory_space<vmem>>
        %dma_wait3A_278 = tpu.memref_squeeze %dma_wait3A_277 : memref<1x400xi32, #tpu.memory_space<vmem>> -> memref<400xi32, #tpu.memory_space<vmem>>
        %dma_wait3A_279 = arith.constant 0 : i32
        %dma_wait3A_280 = arith.constant 0 : i32
        %dma_wait3A_281 = tpu.memref_slice %arg5[%dma_wait3A_279, %dma_wait3A_280] : memref<1835008x64xf32, #tpu.memory_space<hbm>> -> memref<1835008x64xf32, #tpu.memory_space<hbm>>
        %dma_wait3A_282 = tpu.memref_slice %arg10[%dma_wait3A_271] : memref<4x!tpu.dma_semaphore, #tpu.memory_space<semaphore_mem>> -> memref<1x!tpu.dma_semaphore, #tpu.memory_space<semaphore_mem>>
        %dma_wait3A_283 = tpu.memref_squeeze %dma_wait3A_282 : memref<1x!tpu.dma_semaphore, #tpu.memory_space<semaphore_mem>> -> memref<!tpu.dma_semaphore, #tpu.memory_space<semaphore_mem>>
        tpu.wait_indirect_dma semaphore(%dma_wait3A_283 : memref<!tpu.dma_semaphore, #tpu.memory_space<semaphore_mem>>) src(%dma_wait3A_275 : memref<400x64xf32, #tpu.memory_space<vmem>>) dst(%dma_wait3A_281 : memref<1835008x64xf32, #tpu.memory_space<hbm>>)
      } else {
      }
      %add3A_132 = arith.constant 2 : i32
      %add3A_133 = arith.addi %add3A_122, %add3A_132 : i32
      %lt3A_134 = arith.constant 64 : i32
      %lt3A_135 = arith.cmpi slt, %add3A_133, %lt3A_134 : i32
      %convert_element_type3A_136 = arith.extui %lt3A_135 : i1 to i32
      %cond3A_137 = arith.constant 0 : i32
      %cond3A_138 = arith.cmpi ne, %convert_element_type3A_136, %cond3A_137 : i32
      scf.if %cond3A_138 {
        %add3A_269 = arith.constant 2 : i32
        %add3A_270 = arith.addi %add3A_122, %add3A_269 : i32
        %mul3A_271 = arith.constant 400 : i32
        %mul3A_272 = arith.muli %add3A_270, %mul3A_271 : i32
        %add3A_273 = arith.addi %mul3A_2, %mul3A_272 : i32
        %run_scoped3A_274 = arith.constant 3 : i32
        "tpu.region"() ({
          %run_scoped3A_291 = tpu.sem_alloc : memref<!tpu.dma_semaphore, #tpu.memory_space<semaphore_mem>>
          %dma_start3A_292 = arith.constant 0 : i32
          %dma_start3A_293 = tpu.memref_slice %arg6[%run_scoped3A_274, %dma_start3A_292] : memref<4x400xi32, #tpu.memory_space<vmem>> -> memref<1x400xi32, #tpu.memory_space<vmem>>
          %dma_start3A_294 = tpu.memref_squeeze %dma_start3A_293 : memref<1x400xi32, #tpu.memory_space<vmem>> -> memref<400xi32, #tpu.memory_space<vmem>>
          %dma_start3A_295 = tpu.memref_slice %arg2[%add3A_273] : memref<819200xi32, #tpu.memory_space<hbm>> -> memref<400xi32, #tpu.memory_space<hbm>>
          %dma_start3A_296 = arith.constant 0 : i32
          %dma_start3A_297 = tpu.memref_slice %arg6[%run_scoped3A_274, %dma_start3A_296] : memref<4x400xi32, #tpu.memory_space<vmem>> -> memref<1x400xi32, #tpu.memory_space<vmem>>
          %dma_start3A_298 = tpu.memref_squeeze %dma_start3A_297 : memref<1x400xi32, #tpu.memory_space<vmem>> -> memref<400xi32, #tpu.memory_space<vmem>>
          %dma_start3A_299 = tpu.memref_slice %arg2[%add3A_273] : memref<819200xi32, #tpu.memory_space<hbm>> -> memref<400xi32, #tpu.memory_space<hbm>>
          tpu.enqueue_dma source(%dma_start3A_299 : memref<400xi32, #tpu.memory_space<hbm>>) target(%dma_start3A_298 : memref<400xi32, #tpu.memory_space<vmem>>) target_semaphore(%run_scoped3A_291 : memref<!tpu.dma_semaphore, #tpu.memory_space<semaphore_mem>>)
          %dma_wait3A_300 = arith.constant 0 : i32
          %dma_wait3A_301 = tpu.memref_slice %arg6[%run_scoped3A_274, %dma_wait3A_300] : memref<4x400xi32, #tpu.memory_space<vmem>> -> memref<1x400xi32, #tpu.memory_space<vmem>>
          %dma_wait3A_302 = tpu.memref_squeeze %dma_wait3A_301 : memref<1x400xi32, #tpu.memory_space<vmem>> -> memref<400xi32, #tpu.memory_space<vmem>>
          %dma_wait3A_303 = tpu.memref_slice %arg2[%add3A_273] : memref<819200xi32, #tpu.memory_space<hbm>> -> memref<400xi32, #tpu.memory_space<hbm>>
          %dma_wait3A_304 = arith.constant 0 : i32
          %dma_wait3A_305 = tpu.memref_slice %arg6[%run_scoped3A_274, %dma_wait3A_304] : memref<4x400xi32, #tpu.memory_space<vmem>> -> memref<1x400xi32, #tpu.memory_space<vmem>>
          %dma_wait3A_306 = tpu.memref_squeeze %dma_wait3A_305 : memref<1x400xi32, #tpu.memory_space<vmem>> -> memref<400xi32, #tpu.memory_space<vmem>>
          %dma_wait3A_307 = tpu.memref_slice %arg2[%add3A_273] : memref<819200xi32, #tpu.memory_space<hbm>> -> memref<400xi32, #tpu.memory_space<hbm>>
          tpu.wait_dma2 semaphore(%run_scoped3A_291 : memref<!tpu.dma_semaphore, #tpu.memory_space<semaphore_mem>>) src(%dma_wait3A_307 : memref<400xi32, #tpu.memory_space<hbm>>) dst(%dma_wait3A_306 : memref<400xi32, #tpu.memory_space<vmem>>)
          tpu.yield
        }) : () -> ()
        %run_scoped3A_275 = arith.constant 3 : i32
        "tpu.region"() ({
          %run_scoped3A_291 = tpu.sem_alloc : memref<!tpu.dma_semaphore, #tpu.memory_space<semaphore_mem>>
          %dma_start3A_292 = arith.constant 0 : i32
          %dma_start3A_293 = tpu.memref_slice %arg7[%run_scoped3A_275, %dma_start3A_292] : memref<4x400xi32, #tpu.memory_space<vmem>> -> memref<1x400xi32, #tpu.memory_space<vmem>>
          %dma_start3A_294 = tpu.memref_squeeze %dma_start3A_293 : memref<1x400xi32, #tpu.memory_space<vmem>> -> memref<400xi32, #tpu.memory_space<vmem>>
          %dma_start3A_295 = tpu.memref_slice %arg3[%add3A_273] : memref<819200xi32, #tpu.memory_space<hbm>> -> memref<400xi32, #tpu.memory_space<hbm>>
          %dma_start3A_296 = arith.constant 0 : i32
          %dma_start3A_297 = tpu.memref_slice %arg7[%run_scoped3A_275, %dma_start3A_296] : memref<4x400xi32, #tpu.memory_space<vmem>> -> memref<1x400xi32, #tpu.memory_space<vmem>>
          %dma_start3A_298 = tpu.memref_squeeze %dma_start3A_297 : memref<1x400xi32, #tpu.memory_space<vmem>> -> memref<400xi32, #tpu.memory_space<vmem>>
          %dma_start3A_299 = tpu.memref_slice %arg3[%add3A_273] : memref<819200xi32, #tpu.memory_space<hbm>> -> memref<400xi32, #tpu.memory_space<hbm>>
          tpu.enqueue_dma source(%dma_start3A_299 : memref<400xi32, #tpu.memory_space<hbm>>) target(%dma_start3A_298 : memref<400xi32, #tpu.memory_space<vmem>>) target_semaphore(%run_scoped3A_291 : memref<!tpu.dma_semaphore, #tpu.memory_space<semaphore_mem>>)
          %dma_wait3A_300 = arith.constant 0 : i32
          %dma_wait3A_301 = tpu.memref_slice %arg7[%run_scoped3A_275, %dma_wait3A_300] : memref<4x400xi32, #tpu.memory_space<vmem>> -> memref<1x400xi32, #tpu.memory_space<vmem>>
          %dma_wait3A_302 = tpu.memref_squeeze %dma_wait3A_301 : memref<1x400xi32, #tpu.memory_space<vmem>> -> memref<400xi32, #tpu.memory_space<vmem>>
          %dma_wait3A_303 = tpu.memref_slice %arg3[%add3A_273] : memref<819200xi32, #tpu.memory_space<hbm>> -> memref<400xi32, #tpu.memory_space<hbm>>
          %dma_wait3A_304 = arith.constant 0 : i32
          %dma_wait3A_305 = tpu.memref_slice %arg7[%run_scoped3A_275, %dma_wait3A_304] : memref<4x400xi32, #tpu.memory_space<vmem>> -> memref<1x400xi32, #tpu.memory_space<vmem>>
          %dma_wait3A_306 = tpu.memref_squeeze %dma_wait3A_305 : memref<1x400xi32, #tpu.memory_space<vmem>> -> memref<400xi32, #tpu.memory_space<vmem>>
          %dma_wait3A_307 = tpu.memref_slice %arg3[%add3A_273] : memref<819200xi32, #tpu.memory_space<hbm>> -> memref<400xi32, #tpu.memory_space<hbm>>
          tpu.wait_dma2 semaphore(%run_scoped3A_291 : memref<!tpu.dma_semaphore, #tpu.memory_space<semaphore_mem>>) src(%dma_wait3A_307 : memref<400xi32, #tpu.memory_space<hbm>>) dst(%dma_wait3A_306 : memref<400xi32, #tpu.memory_space<vmem>>)
          tpu.yield
        }) : () -> ()
        %dma_start3A_276 = arith.constant 3 : i32
        %dma_start3A_277 = arith.constant 3 : i32
        %dma_start3A_278 = arith.constant 3 : i32
        %dma_start3A_279 = arith.constant 0 : i32
        %dma_start3A_280 = arith.constant 0 : i32
        %dma_start3A_281 = tpu.memref_slice %arg8[%dma_start3A_277, %dma_start3A_279, %dma_start3A_280] : memref<4x400x64xf32, #tpu.memory_space<vmem>> -> memref<1x400x64xf32, #tpu.memory_space<vmem>>
        %dma_start3A_282 = tpu.memref_squeeze %dma_start3A_281 : memref<1x400x64xf32, #tpu.memory_space<vmem>> -> memref<400x64xf32, #tpu.memory_space<vmem>>
        %dma_start3A_283 = arith.constant 0 : i32
        %dma_start3A_284 = tpu.memref_slice %arg6[%dma_start3A_276, %dma_start3A_283] : memref<4x400xi32, #tpu.memory_space<vmem>> -> memref<1x400xi32, #tpu.memory_space<vmem>>
        %dma_start3A_285 = tpu.memref_squeeze %dma_start3A_284 : memref<1x400xi32, #tpu.memory_space<vmem>> -> memref<400xi32, #tpu.memory_space<vmem>>
        %dma_start3A_286 = arith.constant 0 : i32
        %dma_start3A_287 = arith.constant 0 : i32
        %dma_start3A_288 = tpu.memref_slice %arg4[%dma_start3A_286, %dma_start3A_287] : memref<2000000x64xf32, #tpu.memory_space<hbm>> -> memref<2000000x64xf32, #tpu.memory_space<hbm>>
        %dma_start3A_289 = tpu.memref_slice %arg9[%dma_start3A_278] : memref<4x!tpu.dma_semaphore, #tpu.memory_space<semaphore_mem>> -> memref<1x!tpu.dma_semaphore, #tpu.memory_space<semaphore_mem>>
        %dma_start3A_290 = tpu.memref_squeeze %dma_start3A_289 : memref<1x!tpu.dma_semaphore, #tpu.memory_space<semaphore_mem>> -> memref<!tpu.dma_semaphore, #tpu.memory_space<semaphore_mem>>
        tpu.enqueue_indirect_dma source(%dma_start3A_288 : memref<2000000x64xf32, #tpu.memory_space<hbm>>) target(%dma_start3A_282 : memref<400x64xf32, #tpu.memory_space<vmem>>) offsets(%dma_start3A_285 : memref<400xi32, #tpu.memory_space<vmem>>) semaphore(%dma_start3A_290 : memref<!tpu.dma_semaphore, #tpu.memory_space<semaphore_mem>>)
      } else {
      }
      %dma_wait3A_139 = arith.constant 1 : i32
      %dma_wait3A_140 = arith.constant 1 : i32
      %dma_wait3A_141 = arith.constant 1 : i32
      %dma_wait3A_142 = arith.constant 0 : i32
      %dma_wait3A_143 = arith.constant 0 : i32
      %dma_wait3A_144 = tpu.memref_slice %arg8[%dma_wait3A_140, %dma_wait3A_142, %dma_wait3A_143] : memref<4x400x64xf32, #tpu.memory_space<vmem>> -> memref<1x400x64xf32, #tpu.memory_space<vmem>>
      %dma_wait3A_145 = tpu.memref_squeeze %dma_wait3A_144 : memref<1x400x64xf32, #tpu.memory_space<vmem>> -> memref<400x64xf32, #tpu.memory_space<vmem>>
      %dma_wait3A_146 = arith.constant 0 : i32
      %dma_wait3A_147 = tpu.memref_slice %arg6[%dma_wait3A_139, %dma_wait3A_146] : memref<4x400xi32, #tpu.memory_space<vmem>> -> memref<1x400xi32, #tpu.memory_space<vmem>>
      %dma_wait3A_148 = tpu.memref_squeeze %dma_wait3A_147 : memref<1x400xi32, #tpu.memory_space<vmem>> -> memref<400xi32, #tpu.memory_space<vmem>>
      %dma_wait3A_149 = arith.constant 0 : i32
      %dma_wait3A_150 = arith.constant 0 : i32
      %dma_wait3A_151 = tpu.memref_slice %arg4[%dma_wait3A_149, %dma_wait3A_150] : memref<2000000x64xf32, #tpu.memory_space<hbm>> -> memref<2000000x64xf32, #tpu.memory_space<hbm>>
      %dma_wait3A_152 = tpu.memref_slice %arg9[%dma_wait3A_141] : memref<4x!tpu.dma_semaphore, #tpu.memory_space<semaphore_mem>> -> memref<1x!tpu.dma_semaphore, #tpu.memory_space<semaphore_mem>>
      %dma_wait3A_153 = tpu.memref_squeeze %dma_wait3A_152 : memref<1x!tpu.dma_semaphore, #tpu.memory_space<semaphore_mem>> -> memref<!tpu.dma_semaphore, #tpu.memory_space<semaphore_mem>>
      tpu.wait_indirect_dma semaphore(%dma_wait3A_153 : memref<!tpu.dma_semaphore, #tpu.memory_space<semaphore_mem>>) src(%dma_wait3A_151 : memref<2000000x64xf32, #tpu.memory_space<hbm>>) dst(%dma_wait3A_145 : memref<400x64xf32, #tpu.memory_space<vmem>>)
      %dma_start3A_154 = arith.constant 1 : i32
      %dma_start3A_155 = arith.constant 1 : i32
      %dma_start3A_156 = arith.constant 1 : i32
      %dma_start3A_157 = arith.constant 0 : i32
      %dma_start3A_158 = arith.constant 0 : i32
      %dma_start3A_159 = tpu.memref_slice %arg8[%dma_start3A_154, %dma_start3A_157, %dma_start3A_158] : memref<4x400x64xf32, #tpu.memory_space<vmem>> -> memref<1x400x64xf32, #tpu.memory_space<vmem>>
      %dma_start3A_160 = tpu.memref_squeeze %dma_start3A_159 : memref<1x400x64xf32, #tpu.memory_space<vmem>> -> memref<400x64xf32, #tpu.memory_space<vmem>>
      %dma_start3A_161 = arith.constant 0 : i32
      %dma_start3A_162 = tpu.memref_slice %arg7[%dma_start3A_155, %dma_start3A_161] : memref<4x400xi32, #tpu.memory_space<vmem>> -> memref<1x400xi32, #tpu.memory_space<vmem>>
      %dma_start3A_163 = tpu.memref_squeeze %dma_start3A_162 : memref<1x400xi32, #tpu.memory_space<vmem>> -> memref<400xi32, #tpu.memory_space<vmem>>
      %dma_start3A_164 = arith.constant 0 : i32
      %dma_start3A_165 = arith.constant 0 : i32
      %dma_start3A_166 = tpu.memref_slice %arg5[%dma_start3A_164, %dma_start3A_165] : memref<1835008x64xf32, #tpu.memory_space<hbm>> -> memref<1835008x64xf32, #tpu.memory_space<hbm>>
      %dma_start3A_167 = tpu.memref_slice %arg10[%dma_start3A_156] : memref<4x!tpu.dma_semaphore, #tpu.memory_space<semaphore_mem>> -> memref<1x!tpu.dma_semaphore, #tpu.memory_space<semaphore_mem>>
      %dma_start3A_168 = tpu.memref_squeeze %dma_start3A_167 : memref<1x!tpu.dma_semaphore, #tpu.memory_space<semaphore_mem>> -> memref<!tpu.dma_semaphore, #tpu.memory_space<semaphore_mem>>
      tpu.enqueue_indirect_dma source(%dma_start3A_160 : memref<400x64xf32, #tpu.memory_space<vmem>>) target(%dma_start3A_166 : memref<1835008x64xf32, #tpu.memory_space<hbm>>) offsets(%dma_start3A_163 : memref<400xi32, #tpu.memory_space<vmem>>) semaphore(%dma_start3A_168 : memref<!tpu.dma_semaphore, #tpu.memory_space<semaphore_mem>>)
      %mul3A_169 = arith.constant 4 : i32
      %mul3A_170 = arith.muli %scan3A_73, %mul3A_169 : i32
      %add3A_171 = arith.constant 2 : i32
      %add3A_172 = arith.addi %mul3A_170, %add3A_171 : i32
      %add3A_173 = arith.constant 2 : i32
      %add3A_174 = arith.addi %add3A_172, %add3A_173 : i32
      %sub3A_175 = arith.constant 4 : i32
      %sub3A_176 = arith.subi %add3A_174, %sub3A_175 : i32
      %ge3A_177 = arith.constant 0 : i32
      %ge3A_178 = arith.cmpi sge, %sub3A_176, %ge3A_177 : i32
      %convert_element_type3A_179 = arith.extui %ge3A_178 : i1 to i32
      %cond3A_180 = arith.constant 0 : i32
      %cond3A_181 = arith.cmpi ne, %convert_element_type3A_179, %cond3A_180 : i32
      scf.if %cond3A_181 {
        %dma_wait3A_269 = arith.constant 0 : i32
        %dma_wait3A_270 = arith.constant 0 : i32
        %dma_wait3A_271 = arith.constant 0 : i32
        %dma_wait3A_272 = arith.constant 0 : i32
        %dma_wait3A_273 = arith.constant 0 : i32
        %dma_wait3A_274 = tpu.memref_slice %arg8[%dma_wait3A_269, %dma_wait3A_272, %dma_wait3A_273] : memref<4x400x64xf32, #tpu.memory_space<vmem>> -> memref<1x400x64xf32, #tpu.memory_space<vmem>>
        %dma_wait3A_275 = tpu.memref_squeeze %dma_wait3A_274 : memref<1x400x64xf32, #tpu.memory_space<vmem>> -> memref<400x64xf32, #tpu.memory_space<vmem>>
        %dma_wait3A_276 = arith.constant 0 : i32
        %dma_wait3A_277 = tpu.memref_slice %arg7[%dma_wait3A_270, %dma_wait3A_276] : memref<4x400xi32, #tpu.memory_space<vmem>> -> memref<1x400xi32, #tpu.memory_space<vmem>>
        %dma_wait3A_278 = tpu.memref_squeeze %dma_wait3A_277 : memref<1x400xi32, #tpu.memory_space<vmem>> -> memref<400xi32, #tpu.memory_space<vmem>>
        %dma_wait3A_279 = arith.constant 0 : i32
        %dma_wait3A_280 = arith.constant 0 : i32
        %dma_wait3A_281 = tpu.memref_slice %arg5[%dma_wait3A_279, %dma_wait3A_280] : memref<1835008x64xf32, #tpu.memory_space<hbm>> -> memref<1835008x64xf32, #tpu.memory_space<hbm>>
        %dma_wait3A_282 = tpu.memref_slice %arg10[%dma_wait3A_271] : memref<4x!tpu.dma_semaphore, #tpu.memory_space<semaphore_mem>> -> memref<1x!tpu.dma_semaphore, #tpu.memory_space<semaphore_mem>>
        %dma_wait3A_283 = tpu.memref_squeeze %dma_wait3A_282 : memref<1x!tpu.dma_semaphore, #tpu.memory_space<semaphore_mem>> -> memref<!tpu.dma_semaphore, #tpu.memory_space<semaphore_mem>>
        tpu.wait_indirect_dma semaphore(%dma_wait3A_283 : memref<!tpu.dma_semaphore, #tpu.memory_space<semaphore_mem>>) src(%dma_wait3A_275 : memref<400x64xf32, #tpu.memory_space<vmem>>) dst(%dma_wait3A_281 : memref<1835008x64xf32, #tpu.memory_space<hbm>>)
      } else {
      }
      %add3A_182 = arith.constant 2 : i32
      %add3A_183 = arith.addi %add3A_172, %add3A_182 : i32
      %lt3A_184 = arith.constant 64 : i32
      %lt3A_185 = arith.cmpi slt, %add3A_183, %lt3A_184 : i32
      %convert_element_type3A_186 = arith.extui %lt3A_185 : i1 to i32
      %cond3A_187 = arith.constant 0 : i32
      %cond3A_188 = arith.cmpi ne, %convert_element_type3A_186, %cond3A_187 : i32
      scf.if %cond3A_188 {
        %add3A_269 = arith.constant 2 : i32
        %add3A_270 = arith.addi %add3A_172, %add3A_269 : i32
        %mul3A_271 = arith.constant 400 : i32
        %mul3A_272 = arith.muli %add3A_270, %mul3A_271 : i32
        %add3A_273 = arith.addi %mul3A_2, %mul3A_272 : i32
        %run_scoped3A_274 = arith.constant 0 : i32
        "tpu.region"() ({
          %run_scoped3A_291 = tpu.sem_alloc : memref<!tpu.dma_semaphore, #tpu.memory_space<semaphore_mem>>
          %dma_start3A_292 = arith.constant 0 : i32
          %dma_start3A_293 = tpu.memref_slice %arg6[%run_scoped3A_274, %dma_start3A_292] : memref<4x400xi32, #tpu.memory_space<vmem>> -> memref<1x400xi32, #tpu.memory_space<vmem>>
          %dma_start3A_294 = tpu.memref_squeeze %dma_start3A_293 : memref<1x400xi32, #tpu.memory_space<vmem>> -> memref<400xi32, #tpu.memory_space<vmem>>
          %dma_start3A_295 = tpu.memref_slice %arg2[%add3A_273] : memref<819200xi32, #tpu.memory_space<hbm>> -> memref<400xi32, #tpu.memory_space<hbm>>
          %dma_start3A_296 = arith.constant 0 : i32
          %dma_start3A_297 = tpu.memref_slice %arg6[%run_scoped3A_274, %dma_start3A_296] : memref<4x400xi32, #tpu.memory_space<vmem>> -> memref<1x400xi32, #tpu.memory_space<vmem>>
          %dma_start3A_298 = tpu.memref_squeeze %dma_start3A_297 : memref<1x400xi32, #tpu.memory_space<vmem>> -> memref<400xi32, #tpu.memory_space<vmem>>
          %dma_start3A_299 = tpu.memref_slice %arg2[%add3A_273] : memref<819200xi32, #tpu.memory_space<hbm>> -> memref<400xi32, #tpu.memory_space<hbm>>
          tpu.enqueue_dma source(%dma_start3A_299 : memref<400xi32, #tpu.memory_space<hbm>>) target(%dma_start3A_298 : memref<400xi32, #tpu.memory_space<vmem>>) target_semaphore(%run_scoped3A_291 : memref<!tpu.dma_semaphore, #tpu.memory_space<semaphore_mem>>)
          %dma_wait3A_300 = arith.constant 0 : i32
          %dma_wait3A_301 = tpu.memref_slice %arg6[%run_scoped3A_274, %dma_wait3A_300] : memref<4x400xi32, #tpu.memory_space<vmem>> -> memref<1x400xi32, #tpu.memory_space<vmem>>
          %dma_wait3A_302 = tpu.memref_squeeze %dma_wait3A_301 : memref<1x400xi32, #tpu.memory_space<vmem>> -> memref<400xi32, #tpu.memory_space<vmem>>
          %dma_wait3A_303 = tpu.memref_slice %arg2[%add3A_273] : memref<819200xi32, #tpu.memory_space<hbm>> -> memref<400xi32, #tpu.memory_space<hbm>>
          %dma_wait3A_304 = arith.constant 0 : i32
          %dma_wait3A_305 = tpu.memref_slice %arg6[%run_scoped3A_274, %dma_wait3A_304] : memref<4x400xi32, #tpu.memory_space<vmem>> -> memref<1x400xi32, #tpu.memory_space<vmem>>
          %dma_wait3A_306 = tpu.memref_squeeze %dma_wait3A_305 : memref<1x400xi32, #tpu.memory_space<vmem>> -> memref<400xi32, #tpu.memory_space<vmem>>
          %dma_wait3A_307 = tpu.memref_slice %arg2[%add3A_273] : memref<819200xi32, #tpu.memory_space<hbm>> -> memref<400xi32, #tpu.memory_space<hbm>>
          tpu.wait_dma2 semaphore(%run_scoped3A_291 : memref<!tpu.dma_semaphore, #tpu.memory_space<semaphore_mem>>) src(%dma_wait3A_307 : memref<400xi32, #tpu.memory_space<hbm>>) dst(%dma_wait3A_306 : memref<400xi32, #tpu.memory_space<vmem>>)
          tpu.yield
        }) : () -> ()
        %run_scoped3A_275 = arith.constant 0 : i32
        "tpu.region"() ({
          %run_scoped3A_291 = tpu.sem_alloc : memref<!tpu.dma_semaphore, #tpu.memory_space<semaphore_mem>>
          %dma_start3A_292 = arith.constant 0 : i32
          %dma_start3A_293 = tpu.memref_slice %arg7[%run_scoped3A_275, %dma_start3A_292] : memref<4x400xi32, #tpu.memory_space<vmem>> -> memref<1x400xi32, #tpu.memory_space<vmem>>
          %dma_start3A_294 = tpu.memref_squeeze %dma_start3A_293 : memref<1x400xi32, #tpu.memory_space<vmem>> -> memref<400xi32, #tpu.memory_space<vmem>>
          %dma_start3A_295 = tpu.memref_slice %arg3[%add3A_273] : memref<819200xi32, #tpu.memory_space<hbm>> -> memref<400xi32, #tpu.memory_space<hbm>>
          %dma_start3A_296 = arith.constant 0 : i32
          %dma_start3A_297 = tpu.memref_slice %arg7[%run_scoped3A_275, %dma_start3A_296] : memref<4x400xi32, #tpu.memory_space<vmem>> -> memref<1x400xi32, #tpu.memory_space<vmem>>
          %dma_start3A_298 = tpu.memref_squeeze %dma_start3A_297 : memref<1x400xi32, #tpu.memory_space<vmem>> -> memref<400xi32, #tpu.memory_space<vmem>>
          %dma_start3A_299 = tpu.memref_slice %arg3[%add3A_273] : memref<819200xi32, #tpu.memory_space<hbm>> -> memref<400xi32, #tpu.memory_space<hbm>>
          tpu.enqueue_dma source(%dma_start3A_299 : memref<400xi32, #tpu.memory_space<hbm>>) target(%dma_start3A_298 : memref<400xi32, #tpu.memory_space<vmem>>) target_semaphore(%run_scoped3A_291 : memref<!tpu.dma_semaphore, #tpu.memory_space<semaphore_mem>>)
          %dma_wait3A_300 = arith.constant 0 : i32
          %dma_wait3A_301 = tpu.memref_slice %arg7[%run_scoped3A_275, %dma_wait3A_300] : memref<4x400xi32, #tpu.memory_space<vmem>> -> memref<1x400xi32, #tpu.memory_space<vmem>>
          %dma_wait3A_302 = tpu.memref_squeeze %dma_wait3A_301 : memref<1x400xi32, #tpu.memory_space<vmem>> -> memref<400xi32, #tpu.memory_space<vmem>>
          %dma_wait3A_303 = tpu.memref_slice %arg3[%add3A_273] : memref<819200xi32, #tpu.memory_space<hbm>> -> memref<400xi32, #tpu.memory_space<hbm>>
          %dma_wait3A_304 = arith.constant 0 : i32
          %dma_wait3A_305 = tpu.memref_slice %arg7[%run_scoped3A_275, %dma_wait3A_304] : memref<4x400xi32, #tpu.memory_space<vmem>> -> memref<1x400xi32, #tpu.memory_space<vmem>>
          %dma_wait3A_306 = tpu.memref_squeeze %dma_wait3A_305 : memref<1x400xi32, #tpu.memory_space<vmem>> -> memref<400xi32, #tpu.memory_space<vmem>>
          %dma_wait3A_307 = tpu.memref_slice %arg3[%add3A_273] : memref<819200xi32, #tpu.memory_space<hbm>> -> memref<400xi32, #tpu.memory_space<hbm>>
          tpu.wait_dma2 semaphore(%run_scoped3A_291 : memref<!tpu.dma_semaphore, #tpu.memory_space<semaphore_mem>>) src(%dma_wait3A_307 : memref<400xi32, #tpu.memory_space<hbm>>) dst(%dma_wait3A_306 : memref<400xi32, #tpu.memory_space<vmem>>)
          tpu.yield
        }) : () -> ()
        %dma_start3A_276 = arith.constant 0 : i32
        %dma_start3A_277 = arith.constant 0 : i32
        %dma_start3A_278 = arith.constant 0 : i32
        %dma_start3A_279 = arith.constant 0 : i32
        %dma_start3A_280 = arith.constant 0 : i32
        %dma_start3A_281 = tpu.memref_slice %arg8[%dma_start3A_277, %dma_start3A_279, %dma_start3A_280] : memref<4x400x64xf32, #tpu.memory_space<vmem>> -> memref<1x400x64xf32, #tpu.memory_space<vmem>>
        %dma_start3A_282 = tpu.memref_squeeze %dma_start3A_281 : memref<1x400x64xf32, #tpu.memory_space<vmem>> -> memref<400x64xf32, #tpu.memory_space<vmem>>
        %dma_start3A_283 = arith.constant 0 : i32
        %dma_start3A_284 = tpu.memref_slice %arg6[%dma_start3A_276, %dma_start3A_283] : memref<4x400xi32, #tpu.memory_space<vmem>> -> memref<1x400xi32, #tpu.memory_space<vmem>>
        %dma_start3A_285 = tpu.memref_squeeze %dma_start3A_284 : memref<1x400xi32, #tpu.memory_space<vmem>> -> memref<400xi32, #tpu.memory_space<vmem>>
        %dma_start3A_286 = arith.constant 0 : i32
        %dma_start3A_287 = arith.constant 0 : i32
        %dma_start3A_288 = tpu.memref_slice %arg4[%dma_start3A_286, %dma_start3A_287] : memref<2000000x64xf32, #tpu.memory_space<hbm>> -> memref<2000000x64xf32, #tpu.memory_space<hbm>>
        %dma_start3A_289 = tpu.memref_slice %arg9[%dma_start3A_278] : memref<4x!tpu.dma_semaphore, #tpu.memory_space<semaphore_mem>> -> memref<1x!tpu.dma_semaphore, #tpu.memory_space<semaphore_mem>>
        %dma_start3A_290 = tpu.memref_squeeze %dma_start3A_289 : memref<1x!tpu.dma_semaphore, #tpu.memory_space<semaphore_mem>> -> memref<!tpu.dma_semaphore, #tpu.memory_space<semaphore_mem>>
        tpu.enqueue_indirect_dma source(%dma_start3A_288 : memref<2000000x64xf32, #tpu.memory_space<hbm>>) target(%dma_start3A_282 : memref<400x64xf32, #tpu.memory_space<vmem>>) offsets(%dma_start3A_285 : memref<400xi32, #tpu.memory_space<vmem>>) semaphore(%dma_start3A_290 : memref<!tpu.dma_semaphore, #tpu.memory_space<semaphore_mem>>)
      } else {
      }
      %dma_wait3A_189 = arith.constant 2 : i32
      %dma_wait3A_190 = arith.constant 2 : i32
      %dma_wait3A_191 = arith.constant 2 : i32
      %dma_wait3A_192 = arith.constant 0 : i32
      %dma_wait3A_193 = arith.constant 0 : i32
      %dma_wait3A_194 = tpu.memref_slice %arg8[%dma_wait3A_190, %dma_wait3A_192, %dma_wait3A_193] : memref<4x400x64xf32, #tpu.memory_space<vmem>> -> memref<1x400x64xf32, #tpu.memory_space<vmem>>
      %dma_wait3A_195 = tpu.memref_squeeze %dma_wait3A_194 : memref<1x400x64xf32, #tpu.memory_space<vmem>> -> memref<400x64xf32, #tpu.memory_space<vmem>>
      %dma_wait3A_196 = arith.constant 0 : i32
      %dma_wait3A_197 = tpu.memref_slice %arg6[%dma_wait3A_189, %dma_wait3A_196] : memref<4x400xi32, #tpu.memory_space<vmem>> -> memref<1x400xi32, #tpu.memory_space<vmem>>
      %dma_wait3A_198 = tpu.memref_squeeze %dma_wait3A_197 : memref<1x400xi32, #tpu.memory_space<vmem>> -> memref<400xi32, #tpu.memory_space<vmem>>
      %dma_wait3A_199 = arith.constant 0 : i32
      %dma_wait3A_200 = arith.constant 0 : i32
      %dma_wait3A_201 = tpu.memref_slice %arg4[%dma_wait3A_199, %dma_wait3A_200] : memref<2000000x64xf32, #tpu.memory_space<hbm>> -> memref<2000000x64xf32, #tpu.memory_space<hbm>>
      %dma_wait3A_202 = tpu.memref_slice %arg9[%dma_wait3A_191] : memref<4x!tpu.dma_semaphore, #tpu.memory_space<semaphore_mem>> -> memref<1x!tpu.dma_semaphore, #tpu.memory_space<semaphore_mem>>
      %dma_wait3A_203 = tpu.memref_squeeze %dma_wait3A_202 : memref<1x!tpu.dma_semaphore, #tpu.memory_space<semaphore_mem>> -> memref<!tpu.dma_semaphore, #tpu.memory_space<semaphore_mem>>
      tpu.wait_indirect_dma semaphore(%dma_wait3A_203 : memref<!tpu.dma_semaphore, #tpu.memory_space<semaphore_mem>>) src(%dma_wait3A_201 : memref<2000000x64xf32, #tpu.memory_space<hbm>>) dst(%dma_wait3A_195 : memref<400x64xf32, #tpu.memory_space<vmem>>)
      %dma_start3A_204 = arith.constant 2 : i32
      %dma_start3A_205 = arith.constant 2 : i32
      %dma_start3A_206 = arith.constant 2 : i32
      %dma_start3A_207 = arith.constant 0 : i32
      %dma_start3A_208 = arith.constant 0 : i32
      %dma_start3A_209 = tpu.memref_slice %arg8[%dma_start3A_204, %dma_start3A_207, %dma_start3A_208] : memref<4x400x64xf32, #tpu.memory_space<vmem>> -> memref<1x400x64xf32, #tpu.memory_space<vmem>>
      %dma_start3A_210 = tpu.memref_squeeze %dma_start3A_209 : memref<1x400x64xf32, #tpu.memory_space<vmem>> -> memref<400x64xf32, #tpu.memory_space<vmem>>
      %dma_start3A_211 = arith.constant 0 : i32
      %dma_start3A_212 = tpu.memref_slice %arg7[%dma_start3A_205, %dma_start3A_211] : memref<4x400xi32, #tpu.memory_space<vmem>> -> memref<1x400xi32, #tpu.memory_space<vmem>>
      %dma_start3A_213 = tpu.memref_squeeze %dma_start3A_212 : memref<1x400xi32, #tpu.memory_space<vmem>> -> memref<400xi32, #tpu.memory_space<vmem>>
      %dma_start3A_214 = arith.constant 0 : i32
      %dma_start3A_215 = arith.constant 0 : i32
      %dma_start3A_216 = tpu.memref_slice %arg5[%dma_start3A_214, %dma_start3A_215] : memref<1835008x64xf32, #tpu.memory_space<hbm>> -> memref<1835008x64xf32, #tpu.memory_space<hbm>>
      %dma_start3A_217 = tpu.memref_slice %arg10[%dma_start3A_206] : memref<4x!tpu.dma_semaphore, #tpu.memory_space<semaphore_mem>> -> memref<1x!tpu.dma_semaphore, #tpu.memory_space<semaphore_mem>>
      %dma_start3A_218 = tpu.memref_squeeze %dma_start3A_217 : memref<1x!tpu.dma_semaphore, #tpu.memory_space<semaphore_mem>> -> memref<!tpu.dma_semaphore, #tpu.memory_space<semaphore_mem>>
      tpu.enqueue_indirect_dma source(%dma_start3A_210 : memref<400x64xf32, #tpu.memory_space<vmem>>) target(%dma_start3A_216 : memref<1835008x64xf32, #tpu.memory_space<hbm>>) offsets(%dma_start3A_213 : memref<400xi32, #tpu.memory_space<vmem>>) semaphore(%dma_start3A_218 : memref<!tpu.dma_semaphore, #tpu.memory_space<semaphore_mem>>)
      %mul3A_219 = arith.constant 4 : i32
      %mul3A_220 = arith.muli %scan3A_73, %mul3A_219 : i32
      %add3A_221 = arith.constant 3 : i32
      %add3A_222 = arith.addi %mul3A_220, %add3A_221 : i32
      %add3A_223 = arith.constant 2 : i32
      %add3A_224 = arith.addi %add3A_222, %add3A_223 : i32
      %sub3A_225 = arith.constant 4 : i32
      %sub3A_226 = arith.subi %add3A_224, %sub3A_225 : i32
      %ge3A_227 = arith.constant 0 : i32
      %ge3A_228 = arith.cmpi sge, %sub3A_226, %ge3A_227 : i32
      %convert_element_type3A_229 = arith.extui %ge3A_228 : i1 to i32
      %cond3A_230 = arith.constant 0 : i32
      %cond3A_231 = arith.cmpi ne, %convert_element_type3A_229, %cond3A_230 : i32
      scf.if %cond3A_231 {
        %dma_wait3A_269 = arith.constant 1 : i32
        %dma_wait3A_270 = arith.constant 1 : i32
        %dma_wait3A_271 = arith.constant 1 : i32
        %dma_wait3A_272 = arith.constant 0 : i32
        %dma_wait3A_273 = arith.constant 0 : i32
        %dma_wait3A_274 = tpu.memref_slice %arg8[%dma_wait3A_269, %dma_wait3A_272, %dma_wait3A_273] : memref<4x400x64xf32, #tpu.memory_space<vmem>> -> memref<1x400x64xf32, #tpu.memory_space<vmem>>
        %dma_wait3A_275 = tpu.memref_squeeze %dma_wait3A_274 : memref<1x400x64xf32, #tpu.memory_space<vmem>> -> memref<400x64xf32, #tpu.memory_space<vmem>>
        %dma_wait3A_276 = arith.constant 0 : i32
        %dma_wait3A_277 = tpu.memref_slice %arg7[%dma_wait3A_270, %dma_wait3A_276] : memref<4x400xi32, #tpu.memory_space<vmem>> -> memref<1x400xi32, #tpu.memory_space<vmem>>
        %dma_wait3A_278 = tpu.memref_squeeze %dma_wait3A_277 : memref<1x400xi32, #tpu.memory_space<vmem>> -> memref<400xi32, #tpu.memory_space<vmem>>
        %dma_wait3A_279 = arith.constant 0 : i32
        %dma_wait3A_280 = arith.constant 0 : i32
        %dma_wait3A_281 = tpu.memref_slice %arg5[%dma_wait3A_279, %dma_wait3A_280] : memref<1835008x64xf32, #tpu.memory_space<hbm>> -> memref<1835008x64xf32, #tpu.memory_space<hbm>>
        %dma_wait3A_282 = tpu.memref_slice %arg10[%dma_wait3A_271] : memref<4x!tpu.dma_semaphore, #tpu.memory_space<semaphore_mem>> -> memref<1x!tpu.dma_semaphore, #tpu.memory_space<semaphore_mem>>
        %dma_wait3A_283 = tpu.memref_squeeze %dma_wait3A_282 : memref<1x!tpu.dma_semaphore, #tpu.memory_space<semaphore_mem>> -> memref<!tpu.dma_semaphore, #tpu.memory_space<semaphore_mem>>
        tpu.wait_indirect_dma semaphore(%dma_wait3A_283 : memref<!tpu.dma_semaphore, #tpu.memory_space<semaphore_mem>>) src(%dma_wait3A_275 : memref<400x64xf32, #tpu.memory_space<vmem>>) dst(%dma_wait3A_281 : memref<1835008x64xf32, #tpu.memory_space<hbm>>)
      } else {
      }
      %add3A_232 = arith.constant 2 : i32
      %add3A_233 = arith.addi %add3A_222, %add3A_232 : i32
      %lt3A_234 = arith.constant 64 : i32
      %lt3A_235 = arith.cmpi slt, %add3A_233, %lt3A_234 : i32
      %convert_element_type3A_236 = arith.extui %lt3A_235 : i1 to i32
      %cond3A_237 = arith.constant 0 : i32
      %cond3A_238 = arith.cmpi ne, %convert_element_type3A_236, %cond3A_237 : i32
      scf.if %cond3A_238 {
        %add3A_269 = arith.constant 2 : i32
        %add3A_270 = arith.addi %add3A_222, %add3A_269 : i32
        %mul3A_271 = arith.constant 400 : i32
        %mul3A_272 = arith.muli %add3A_270, %mul3A_271 : i32
        %add3A_273 = arith.addi %mul3A_2, %mul3A_272 : i32
        %run_scoped3A_274 = arith.constant 1 : i32
        "tpu.region"() ({
          %run_scoped3A_291 = tpu.sem_alloc : memref<!tpu.dma_semaphore, #tpu.memory_space<semaphore_mem>>
          %dma_start3A_292 = arith.constant 0 : i32
          %dma_start3A_293 = tpu.memref_slice %arg6[%run_scoped3A_274, %dma_start3A_292] : memref<4x400xi32, #tpu.memory_space<vmem>> -> memref<1x400xi32, #tpu.memory_space<vmem>>
          %dma_start3A_294 = tpu.memref_squeeze %dma_start3A_293 : memref<1x400xi32, #tpu.memory_space<vmem>> -> memref<400xi32, #tpu.memory_space<vmem>>
          %dma_start3A_295 = tpu.memref_slice %arg2[%add3A_273] : memref<819200xi32, #tpu.memory_space<hbm>> -> memref<400xi32, #tpu.memory_space<hbm>>
          %dma_start3A_296 = arith.constant 0 : i32
          %dma_start3A_297 = tpu.memref_slice %arg6[%run_scoped3A_274, %dma_start3A_296] : memref<4x400xi32, #tpu.memory_space<vmem>> -> memref<1x400xi32, #tpu.memory_space<vmem>>
          %dma_start3A_298 = tpu.memref_squeeze %dma_start3A_297 : memref<1x400xi32, #tpu.memory_space<vmem>> -> memref<400xi32, #tpu.memory_space<vmem>>
          %dma_start3A_299 = tpu.memref_slice %arg2[%add3A_273] : memref<819200xi32, #tpu.memory_space<hbm>> -> memref<400xi32, #tpu.memory_space<hbm>>
          tpu.enqueue_dma source(%dma_start3A_299 : memref<400xi32, #tpu.memory_space<hbm>>) target(%dma_start3A_298 : memref<400xi32, #tpu.memory_space<vmem>>) target_semaphore(%run_scoped3A_291 : memref<!tpu.dma_semaphore, #tpu.memory_space<semaphore_mem>>)
          %dma_wait3A_300 = arith.constant 0 : i32
          %dma_wait3A_301 = tpu.memref_slice %arg6[%run_scoped3A_274, %dma_wait3A_300] : memref<4x400xi32, #tpu.memory_space<vmem>> -> memref<1x400xi32, #tpu.memory_space<vmem>>
          %dma_wait3A_302 = tpu.memref_squeeze %dma_wait3A_301 : memref<1x400xi32, #tpu.memory_space<vmem>> -> memref<400xi32, #tpu.memory_space<vmem>>
          %dma_wait3A_303 = tpu.memref_slice %arg2[%add3A_273] : memref<819200xi32, #tpu.memory_space<hbm>> -> memref<400xi32, #tpu.memory_space<hbm>>
          %dma_wait3A_304 = arith.constant 0 : i32
          %dma_wait3A_305 = tpu.memref_slice %arg6[%run_scoped3A_274, %dma_wait3A_304] : memref<4x400xi32, #tpu.memory_space<vmem>> -> memref<1x400xi32, #tpu.memory_space<vmem>>
          %dma_wait3A_306 = tpu.memref_squeeze %dma_wait3A_305 : memref<1x400xi32, #tpu.memory_space<vmem>> -> memref<400xi32, #tpu.memory_space<vmem>>
          %dma_wait3A_307 = tpu.memref_slice %arg2[%add3A_273] : memref<819200xi32, #tpu.memory_space<hbm>> -> memref<400xi32, #tpu.memory_space<hbm>>
          tpu.wait_dma2 semaphore(%run_scoped3A_291 : memref<!tpu.dma_semaphore, #tpu.memory_space<semaphore_mem>>) src(%dma_wait3A_307 : memref<400xi32, #tpu.memory_space<hbm>>) dst(%dma_wait3A_306 : memref<400xi32, #tpu.memory_space<vmem>>)
          tpu.yield
        }) : () -> ()
        %run_scoped3A_275 = arith.constant 1 : i32
        "tpu.region"() ({
          %run_scoped3A_291 = tpu.sem_alloc : memref<!tpu.dma_semaphore, #tpu.memory_space<semaphore_mem>>
          %dma_start3A_292 = arith.constant 0 : i32
          %dma_start3A_293 = tpu.memref_slice %arg7[%run_scoped3A_275, %dma_start3A_292] : memref<4x400xi32, #tpu.memory_space<vmem>> -> memref<1x400xi32, #tpu.memory_space<vmem>>
          %dma_start3A_294 = tpu.memref_squeeze %dma_start3A_293 : memref<1x400xi32, #tpu.memory_space<vmem>> -> memref<400xi32, #tpu.memory_space<vmem>>
          %dma_start3A_295 = tpu.memref_slice %arg3[%add3A_273] : memref<819200xi32, #tpu.memory_space<hbm>> -> memref<400xi32, #tpu.memory_space<hbm>>
          %dma_start3A_296 = arith.constant 0 : i32
          %dma_start3A_297 = tpu.memref_slice %arg7[%run_scoped3A_275, %dma_start3A_296] : memref<4x400xi32, #tpu.memory_space<vmem>> -> memref<1x400xi32, #tpu.memory_space<vmem>>
          %dma_start3A_298 = tpu.memref_squeeze %dma_start3A_297 : memref<1x400xi32, #tpu.memory_space<vmem>> -> memref<400xi32, #tpu.memory_space<vmem>>
          %dma_start3A_299 = tpu.memref_slice %arg3[%add3A_273] : memref<819200xi32, #tpu.memory_space<hbm>> -> memref<400xi32, #tpu.memory_space<hbm>>
          tpu.enqueue_dma source(%dma_start3A_299 : memref<400xi32, #tpu.memory_space<hbm>>) target(%dma_start3A_298 : memref<400xi32, #tpu.memory_space<vmem>>) target_semaphore(%run_scoped3A_291 : memref<!tpu.dma_semaphore, #tpu.memory_space<semaphore_mem>>)
          %dma_wait3A_300 = arith.constant 0 : i32
          %dma_wait3A_301 = tpu.memref_slice %arg7[%run_scoped3A_275, %dma_wait3A_300] : memref<4x400xi32, #tpu.memory_space<vmem>> -> memref<1x400xi32, #tpu.memory_space<vmem>>
          %dma_wait3A_302 = tpu.memref_squeeze %dma_wait3A_301 : memref<1x400xi32, #tpu.memory_space<vmem>> -> memref<400xi32, #tpu.memory_space<vmem>>
          %dma_wait3A_303 = tpu.memref_slice %arg3[%add3A_273] : memref<819200xi32, #tpu.memory_space<hbm>> -> memref<400xi32, #tpu.memory_space<hbm>>
          %dma_wait3A_304 = arith.constant 0 : i32
          %dma_wait3A_305 = tpu.memref_slice %arg7[%run_scoped3A_275, %dma_wait3A_304] : memref<4x400xi32, #tpu.memory_space<vmem>> -> memref<1x400xi32, #tpu.memory_space<vmem>>
          %dma_wait3A_306 = tpu.memref_squeeze %dma_wait3A_305 : memref<1x400xi32, #tpu.memory_space<vmem>> -> memref<400xi32, #tpu.memory_space<vmem>>
          %dma_wait3A_307 = tpu.memref_slice %arg3[%add3A_273] : memref<819200xi32, #tpu.memory_space<hbm>> -> memref<400xi32, #tpu.memory_space<hbm>>
          tpu.wait_dma2 semaphore(%run_scoped3A_291 : memref<!tpu.dma_semaphore, #tpu.memory_space<semaphore_mem>>) src(%dma_wait3A_307 : memref<400xi32, #tpu.memory_space<hbm>>) dst(%dma_wait3A_306 : memref<400xi32, #tpu.memory_space<vmem>>)
          tpu.yield
        }) : () -> ()
        %dma_start3A_276 = arith.constant 1 : i32
        %dma_start3A_277 = arith.constant 1 : i32
        %dma_start3A_278 = arith.constant 1 : i32
        %dma_start3A_279 = arith.constant 0 : i32
        %dma_start3A_280 = arith.constant 0 : i32
        %dma_start3A_281 = tpu.memref_slice %arg8[%dma_start3A_277, %dma_start3A_279, %dma_start3A_280] : memref<4x400x64xf32, #tpu.memory_space<vmem>> -> memref<1x400x64xf32, #tpu.memory_space<vmem>>
        %dma_start3A_282 = tpu.memref_squeeze %dma_start3A_281 : memref<1x400x64xf32, #tpu.memory_space<vmem>> -> memref<400x64xf32, #tpu.memory_space<vmem>>
        %dma_start3A_283 = arith.constant 0 : i32
        %dma_start3A_284 = tpu.memref_slice %arg6[%dma_start3A_276, %dma_start3A_283] : memref<4x400xi32, #tpu.memory_space<vmem>> -> memref<1x400xi32, #tpu.memory_space<vmem>>
        %dma_start3A_285 = tpu.memref_squeeze %dma_start3A_284 : memref<1x400xi32, #tpu.memory_space<vmem>> -> memref<400xi32, #tpu.memory_space<vmem>>
        %dma_start3A_286 = arith.constant 0 : i32
        %dma_start3A_287 = arith.constant 0 : i32
        %dma_start3A_288 = tpu.memref_slice %arg4[%dma_start3A_286, %dma_start3A_287] : memref<2000000x64xf32, #tpu.memory_space<hbm>> -> memref<2000000x64xf32, #tpu.memory_space<hbm>>
        %dma_start3A_289 = tpu.memref_slice %arg9[%dma_start3A_278] : memref<4x!tpu.dma_semaphore, #tpu.memory_space<semaphore_mem>> -> memref<1x!tpu.dma_semaphore, #tpu.memory_space<semaphore_mem>>
        %dma_start3A_290 = tpu.memref_squeeze %dma_start3A_289 : memref<1x!tpu.dma_semaphore, #tpu.memory_space<semaphore_mem>> -> memref<!tpu.dma_semaphore, #tpu.memory_space<semaphore_mem>>
        tpu.enqueue_indirect_dma source(%dma_start3A_288 : memref<2000000x64xf32, #tpu.memory_space<hbm>>) target(%dma_start3A_282 : memref<400x64xf32, #tpu.memory_space<vmem>>) offsets(%dma_start3A_285 : memref<400xi32, #tpu.memory_space<vmem>>) semaphore(%dma_start3A_290 : memref<!tpu.dma_semaphore, #tpu.memory_space<semaphore_mem>>)
      } else {
      }
      %dma_wait3A_239 = arith.constant 3 : i32
      %dma_wait3A_240 = arith.constant 3 : i32
      %dma_wait3A_241 = arith.constant 3 : i32
      %dma_wait3A_242 = arith.constant 0 : i32
      %dma_wait3A_243 = arith.constant 0 : i32
      %dma_wait3A_244 = tpu.memref_slice %arg8[%dma_wait3A_240, %dma_wait3A_242, %dma_wait3A_243] : memref<4x400x64xf32, #tpu.memory_space<vmem>> -> memref<1x400x64xf32, #tpu.memory_space<vmem>>
      %dma_wait3A_245 = tpu.memref_squeeze %dma_wait3A_244 : memref<1x400x64xf32, #tpu.memory_space<vmem>> -> memref<400x64xf32, #tpu.memory_space<vmem>>
      %dma_wait3A_246 = arith.constant 0 : i32
      %dma_wait3A_247 = tpu.memref_slice %arg6[%dma_wait3A_239, %dma_wait3A_246] : memref<4x400xi32, #tpu.memory_space<vmem>> -> memref<1x400xi32, #tpu.memory_space<vmem>>
      %dma_wait3A_248 = tpu.memref_squeeze %dma_wait3A_247 : memref<1x400xi32, #tpu.memory_space<vmem>> -> memref<400xi32, #tpu.memory_space<vmem>>
      %dma_wait3A_249 = arith.constant 0 : i32
      %dma_wait3A_250 = arith.constant 0 : i32
      %dma_wait3A_251 = tpu.memref_slice %arg4[%dma_wait3A_249, %dma_wait3A_250] : memref<2000000x64xf32, #tpu.memory_space<hbm>> -> memref<2000000x64xf32, #tpu.memory_space<hbm>>
      %dma_wait3A_252 = tpu.memref_slice %arg9[%dma_wait3A_241] : memref<4x!tpu.dma_semaphore, #tpu.memory_space<semaphore_mem>> -> memref<1x!tpu.dma_semaphore, #tpu.memory_space<semaphore_mem>>
      %dma_wait3A_253 = tpu.memref_squeeze %dma_wait3A_252 : memref<1x!tpu.dma_semaphore, #tpu.memory_space<semaphore_mem>> -> memref<!tpu.dma_semaphore, #tpu.memory_space<semaphore_mem>>
      tpu.wait_indirect_dma semaphore(%dma_wait3A_253 : memref<!tpu.dma_semaphore, #tpu.memory_space<semaphore_mem>>) src(%dma_wait3A_251 : memref<2000000x64xf32, #tpu.memory_space<hbm>>) dst(%dma_wait3A_245 : memref<400x64xf32, #tpu.memory_space<vmem>>)
      %dma_start3A_254 = arith.constant 3 : i32
      %dma_start3A_255 = arith.constant 3 : i32
      %dma_start3A_256 = arith.constant 3 : i32
      %dma_start3A_257 = arith.constant 0 : i32
      %dma_start3A_258 = arith.constant 0 : i32
      %dma_start3A_259 = tpu.memref_slice %arg8[%dma_start3A_254, %dma_start3A_257, %dma_start3A_258] : memref<4x400x64xf32, #tpu.memory_space<vmem>> -> memref<1x400x64xf32, #tpu.memory_space<vmem>>
      %dma_start3A_260 = tpu.memref_squeeze %dma_start3A_259 : memref<1x400x64xf32, #tpu.memory_space<vmem>> -> memref<400x64xf32, #tpu.memory_space<vmem>>
      %dma_start3A_261 = arith.constant 0 : i32
      %dma_start3A_262 = tpu.memref_slice %arg7[%dma_start3A_255, %dma_start3A_261] : memref<4x400xi32, #tpu.memory_space<vmem>> -> memref<1x400xi32, #tpu.memory_space<vmem>>
      %dma_start3A_263 = tpu.memref_squeeze %dma_start3A_262 : memref<1x400xi32, #tpu.memory_space<vmem>> -> memref<400xi32, #tpu.memory_space<vmem>>
      %dma_start3A_264 = arith.constant 0 : i32
      %dma_start3A_265 = arith.constant 0 : i32
      %dma_start3A_266 = tpu.memref_slice %arg5[%dma_start3A_264, %dma_start3A_265] : memref<1835008x64xf32, #tpu.memory_space<hbm>> -> memref<1835008x64xf32, #tpu.memory_space<hbm>>
      %dma_start3A_267 = tpu.memref_slice %arg10[%dma_start3A_256] : memref<4x!tpu.dma_semaphore, #tpu.memory_space<semaphore_mem>> -> memref<1x!tpu.dma_semaphore, #tpu.memory_space<semaphore_mem>>
      %dma_start3A_268 = tpu.memref_squeeze %dma_start3A_267 : memref<1x!tpu.dma_semaphore, #tpu.memory_space<semaphore_mem>> -> memref<!tpu.dma_semaphore, #tpu.memory_space<semaphore_mem>>
      tpu.enqueue_indirect_dma source(%dma_start3A_260 : memref<400x64xf32, #tpu.memory_space<vmem>>) target(%dma_start3A_266 : memref<1835008x64xf32, #tpu.memory_space<hbm>>) offsets(%dma_start3A_263 : memref<400xi32, #tpu.memory_space<vmem>>) semaphore(%dma_start3A_268 : memref<!tpu.dma_semaphore, #tpu.memory_space<semaphore_mem>>)
    }
    %scan3A_43 = arith.constant 16 : i32
    %dma_wait3A = arith.constant 2 : i32
    %dma_wait3A_44 = arith.constant 2 : i32
    %dma_wait3A_45 = arith.constant 2 : i32
    %dma_wait3A_46 = arith.constant 0 : i32
    %dma_wait3A_47 = arith.constant 0 : i32
    %dma_wait3A_48 = tpu.memref_slice %arg8[%dma_wait3A, %dma_wait3A_46, %dma_wait3A_47] : memref<4x400x64xf32, #tpu.memory_space<vmem>> -> memref<1x400x64xf32, #tpu.memory_space<vmem>>
    %dma_wait3A_49 = tpu.memref_squeeze %dma_wait3A_48 : memref<1x400x64xf32, #tpu.memory_space<vmem>> -> memref<400x64xf32, #tpu.memory_space<vmem>>
    %dma_wait3A_50 = arith.constant 0 : i32
    %dma_wait3A_51 = tpu.memref_slice %arg7[%dma_wait3A_44, %dma_wait3A_50] : memref<4x400xi32, #tpu.memory_space<vmem>> -> memref<1x400xi32, #tpu.memory_space<vmem>>
    %dma_wait3A_52 = tpu.memref_squeeze %dma_wait3A_51 : memref<1x400xi32, #tpu.memory_space<vmem>> -> memref<400xi32, #tpu.memory_space<vmem>>
    %dma_wait3A_53 = arith.constant 0 : i32
    %dma_wait3A_54 = arith.constant 0 : i32
    %dma_wait3A_55 = tpu.memref_slice %arg5[%dma_wait3A_53, %dma_wait3A_54] : memref<1835008x64xf32, #tpu.memory_space<hbm>> -> memref<1835008x64xf32, #tpu.memory_space<hbm>>
    %dma_wait3A_56 = tpu.memref_slice %arg10[%dma_wait3A_45] : memref<4x!tpu.dma_semaphore, #tpu.memory_space<semaphore_mem>> -> memref<1x!tpu.dma_semaphore, #tpu.memory_space<semaphore_mem>>
    %dma_wait3A_57 = tpu.memref_squeeze %dma_wait3A_56 : memref<1x!tpu.dma_semaphore, #tpu.memory_space<semaphore_mem>> -> memref<!tpu.dma_semaphore, #tpu.memory_space<semaphore_mem>>
    tpu.wait_indirect_dma semaphore(%dma_wait3A_57 : memref<!tpu.dma_semaphore, #tpu.memory_space<semaphore_mem>>) src(%dma_wait3A_49 : memref<400x64xf32, #tpu.memory_space<vmem>>) dst(%dma_wait3A_55 : memref<1835008x64xf32, #tpu.memory_space<hbm>>)
    %dma_wait3A_58 = arith.constant 3 : i32
    %dma_wait3A_59 = arith.constant 3 : i32
    %dma_wait3A_60 = arith.constant 3 : i32
    %dma_wait3A_61 = arith.constant 0 : i32
    %dma_wait3A_62 = arith.constant 0 : i32
    %dma_wait3A_63 = tpu.memref_slice %arg8[%dma_wait3A_58, %dma_wait3A_61, %dma_wait3A_62] : memref<4x400x64xf32, #tpu.memory_space<vmem>> -> memref<1x400x64xf32, #tpu.memory_space<vmem>>
    %dma_wait3A_64 = tpu.memref_squeeze %dma_wait3A_63 : memref<1x400x64xf32, #tpu.memory_space<vmem>> -> memref<400x64xf32, #tpu.memory_space<vmem>>
    %dma_wait3A_65 = arith.constant 0 : i32
    %dma_wait3A_66 = tpu.memref_slice %arg7[%dma_wait3A_59, %dma_wait3A_65] : memref<4x400xi32, #tpu.memory_space<vmem>> -> memref<1x400xi32, #tpu.memory_space<vmem>>
    %dma_wait3A_67 = tpu.memref_squeeze %dma_wait3A_66 : memref<1x400xi32, #tpu.memory_space<vmem>> -> memref<400xi32, #tpu.memory_space<vmem>>
    %dma_wait3A_68 = arith.constant 0 : i32
    %dma_wait3A_69 = arith.constant 0 : i32
    %dma_wait3A_70 = tpu.memref_slice %arg5[%dma_wait3A_68, %dma_wait3A_69] : memref<1835008x64xf32, #tpu.memory_space<hbm>> -> memref<1835008x64xf32, #tpu.memory_space<hbm>>
    %dma_wait3A_71 = tpu.memref_slice %arg10[%dma_wait3A_60] : memref<4x!tpu.dma_semaphore, #tpu.memory_space<semaphore_mem>> -> memref<1x!tpu.dma_semaphore, #tpu.memory_space<semaphore_mem>>
    %dma_wait3A_72 = tpu.memref_squeeze %dma_wait3A_71 : memref<1x!tpu.dma_semaphore, #tpu.memory_space<semaphore_mem>> -> memref<!tpu.dma_semaphore, #tpu.memory_space<semaphore_mem>>
    tpu.wait_indirect_dma semaphore(%dma_wait3A_72 : memref<!tpu.dma_semaphore, #tpu.memory_space<semaphore_mem>>) src(%dma_wait3A_64 : memref<400x64xf32, #tpu.memory_space<vmem>>) dst(%dma_wait3A_70 : memref<1835008x64xf32, #tpu.memory_space<hbm>>)
    return
  }
}

</mosaic_0001>

<sc_bundles>
// kernel: kernel.3.cloned.1.call-start
scs
__scs_entry_jumppad:
0x0: {  	(pc) =	sbr.rel $0x88, $3  }
0x1: {  	(tag) =	ssettag $0x0;
	lr =	simm.s32 $0x1  }
0x2: {  	[smem:$0x3F9F] =	sst lr;
	_ =	strace $0xD0000000  }
0x3: {  	_ = 	snop  }
0x4: {  	_ = 	snop  }
0x5: {  	_ = 	snop  }
0x6: {  	_ = 	snop  }
0x7: {  	_ = 	snop  }
__scs_overlays_trampoline_lowered:
0x8: {  	[smem:$0x3FAE] =	sst s0  }
0x9: {  	[smem:$0x3FAF] =	sst s1  }
0xa: {  	[smem:$0x3FB0] =	sst s2  }
0xb: {  	[smem:$0x3FB1] =	sst s3  }
0xc: {  	[smem:$0x3FB2] =	sst s4  }
0xd: {  	[smem:$0x3FB3] =	sst s5  }
0xe: {  	[smem:$0x3FB4] =	sst s6  }
0xf: {  	[smem:$0x3FB5] =	sst s7  }
0x10: {  	[smem:$0x3FB6] =	sst s8  }
0x11: {  	[smem:$0x3FB7] =	sst s9;
	s0 =	simm.s32 @!p0 $0x0  }
0x12: {  	s1 =	sld [smem:$0x3F9D];
	s0 =	simm.s32 @p0 $0x1  }
0x13: {  	[smem:$0x3FB8] =	sst s0;
	s0 =	simm.s32 @!p1 $0x0  }
0x14: {  	s2 =	sld [smem:$0x3F9C];
	s0 =	simm.s32 @p1 $0x1  }
0x15: {  	[smem:$0x3FB9] =	sst s0;
	s0 =	simm.s32 @!p2 $0x0  }
0x16: {  	s3 =	sld [smem:$0x3FDB];
	s0 =	simm.s32 @p2 $0x1  }
0x17: {  	s4 =	simm.s32 $0x1BF5;
	[smem:$0x3FBB] =	sst s0  }
0x18: {  	s0 =	sld [smem:$0x3F9E];
	_ =	swait.ge [sflag:s4], $0x0  }
0x19: {  	s7 =	sld [smem:$0x3F9F]  }
0x1a: {  	s8 =	sadd.s32 $0xFFFFE003, lr  }
0x1b: {  	s9 =	sadd.s32 $0xFFFFFEF7, lr;
	s5 =	simm.s32 $0xFFFFFFFF;
	p2 =	slt.u32 s8, $0xFFFFF086  }
0x1c: {  	p1 =	slt.u32 s9, $0xF7A;
	s5 =	simm.s32 @!p2 $0x0  }
0x1d: {  	s5 =	simm.s32 @p1 $0x1;
	p0 =	seq.s32 s7, s2  }
0x1e: {  	s7 =	smul.u32 @!p0 $0xF7A, s2;
	p2 =	seq.s32 @!p0 s5, $0x0  }
0x1f: {  	s9 =	smul.u32 $0xF7A, s1;
	s8 =	simm.s32 @!p0 $0x1BF5;
	p2 =	por !p2, p0  }
0x20: {  	[sflag:s8] =	ssyncset.s32 @!p0 $0xFFFFF086;
	s6 =	sadd.s32 @!p0 s3, s7;
	s7 =	simm.s32 @!p0 $0x108  }
0x21: {  	s3 =	sadd.s32 s3, s9;
	s6 =	sadd.s32 @!p0 $0x88, s6;
	s7 =	simm.s32 @p2 $0x1082  }
0x22: {  	[simem:s7], [sflag:s8] =	dma.local @!p0 [hbm:s6], $0xF7A  }
0x23: {  	s9 =	sor.u32 $0xD0000000, s2;
	s6 =	simm.s32 $0x108;
	_ =	swait.ge @!p0 [sflag:s8], $0x0  }
0x24: {  	s3 =	sadd.s32 $0x88, s3;
	s6 =	simm.s32 @!p1 $0x1082;
	[sflag:s4] =	ssyncset.s32 $0xFFFFF086  }
0x25: {  	[simem:s6], [sflag:s4] =	dma.local [hbm:s3], $0xF7A  }
0x26: {  	[smem:$0x3F9F] =	sst s1;
	(tag) =	ssettag s2;
	_ =	strace s9  }
0x27: {  	s1 =	sld [smem:$0x3FAF]  }
0x28: {  	s2 =	sld [smem:$0x3FB0]  }
0x29: {  	s4 =	sld [smem:$0x3FB2]  }
0x2a: {  	p0 =	seq.s32 s5, $0x0;
	s5 =	sld [smem:$0x3FB3]  }
0x2b: {  	s6 =	sld [smem:$0x3FB4]  }
0x2c: {  	s7 =	sld [smem:$0x3FB5]  }
0x2d: {  	s3 =	simm.s32 $0x108;
	s8 =	sld [smem:$0x3FB6]  }
0x2e: {  	s3 =	simm.s32 @!p0 $0x1082;
	s9 =	sld [smem:$0x3FB7]  }
0x2f: {  	lr =	sadd.s32 s0, s3;
	s0 =	sld [smem:$0x3FAE]  }
0x30: {  	s3 =	sld [smem:$0x3FB1]  }
0x31: {  	[smem:$0x3FBA] =	sst s10  }
0x32: {  	s10 =	sld [smem:$0x3FB8];
	_ =	sdelay $0x3  }
0x33: {  	p0 =	seq.s32 s10, $0x1;
	s10 =	sld [smem:$0x3FBA];
	_ =	sdelay $0x3  }
0x34: {  	[smem:$0x3FBA] =	sst s10  }
0x35: {  	s10 =	sld [smem:$0x3FB9];
	_ =	sdelay $0x3  }
0x36: {  	p1 =	seq.s32 s10, $0x1;
	s10 =	sld [smem:$0x3FBA];
	_ =	sdelay $0x3  }
0x37: {  	[smem:$0x3FBA] =	sst s10  }
0x38: {  	s10 =	sld [smem:$0x3FBB]  }
0x39: {  	_ = 	snop;
	(pc) =	sbr.ind lr, $3  }
0x3a: {  	_ = 	snop  }
0x3b: {  	_ = 	snop  }
0x3c: {  	p2 =	seq.s32 s10, $0x1;
	s10 =	sld [smem:$0x3FBA]  }
0x3d: {  	_ =	shalt  }
0x3e: {  	_ =	shalt  }
0x3f: {  	_ =	shalt  }
0x40: {  	_ =	shalt  }
0x41: {  	_ =	shalt  }
0x42: {  	_ =	shalt  }
0x43: {  	_ =	shalt  }
0x44: {  	_ =	shalt  }
0x45: {  	_ =	shalt  }
0x46: {  	_ =	shalt  }
0x47: {  	_ =	shalt  }
0x48: {  	_ =	shalt  }
0x49: {  	_ =	shalt  }
0x4a: {  	_ =	shalt  }
0x4b: {  	_ =	shalt  }
0x4c: {  	_ =	shalt  }
0x4d: {  	_ =	shalt  }
0x4e: {  	_ =	shalt  }
0x4f: {  	_ =	shalt  }
0x50: {  	_ =	shalt  }
0x51: {  	_ =	shalt  }
0x52: {  	_ =	shalt  }
0x53: {  	_ =	shalt  }
0x54: {  	_ =	shalt  }
0x55: {  	_ =	shalt  }
0x56: {  	_ =	shalt  }
0x57: {  	_ =	shalt  }
0x58: {  	_ =	shalt  }
0x59: {  	_ =	shalt  }
0x5a: {  	_ =	shalt  }
0x5b: {  	_ =	shalt  }
0x5c: {  	_ =	shalt  }
0x5d: {  	_ =	shalt  }
0x5e: {  	_ =	shalt  }
0x5f: {  	_ =	shalt  }
0x60: {  	_ =	shalt  }
0x61: {  	_ =	shalt  }
0x62: {  	_ =	shalt  }
0x63: {  	_ =	shalt  }
0x64: {  	_ =	shalt  }
0x65: {  	_ =	shalt  }
0x66: {  	_ =	shalt  }
0x67: {  	_ =	shalt  }
0x68: {  	_ =	shalt  }
0x69: {  	_ =	shalt  }
0x6a: {  	_ =	shalt  }
0x6b: {  	_ =	shalt  }
0x6c: {  	_ =	shalt  }
0x6d: {  	_ =	shalt  }
0x6e: {  	_ =	shalt  }
0x6f: {  	_ =	shalt  }
0x70: {  	_ =	shalt  }
0x71: {  	_ =	shalt  }
0x72: {  	_ =	shalt  }
0x73: {  	_ =	shalt  }
0x74: {  	_ =	shalt  }
0x75: {  	_ =	shalt  }
0x76: {  	_ =	shalt  }
0x77: {  	_ =	shalt  }
0x78: {  	_ =	shalt  }
0x79: {  	_ =	shalt  }
0x7a: {  	_ =	shalt  }
0x7b: {  	_ =	shalt  }
0x7c: {  	_ =	shalt  }
0x7d: {  	_ =	shalt  }
0x7e: {  	_ =	shalt  }
0x7f: {  	_ =	shalt  }
0x80: {  	_ =	shalt  }
0x81: {  	_ =	shalt  }
0x82: {  	_ =	shalt  }
0x83: {  	_ =	shalt  }
0x84: {  	_ =	shalt  }
0x85: {  	_ =	shalt  }
0x86: {  	_ =	shalt  }
0x87: {  	_ =	shalt  }
.Lfunc_end0:
.L_simem_size_0:
called_computation.2_lowered:
.L_overlay_start_0:
0x88: {  	s2 =	sld [smem:$0x3FD9]  }
0x89: {  	s3 =	sld [smem:$0x3FFE];
	_ =	sdelay $0x1  }
0x8a: {  	s1 =	srdreg.scid  }
0x8b: {  	s0 =	sand.u32 $0x1, s1  }
0x8c: {  	s17 =	sshll.u32 s0, $0xA;
	s2 =	sadd.s32 s3, s2  }
0x8d: {  	s2 =	sadd.s32 s2, s17  }
0x8e: {  	[smem:$0x3FC6] =	sst s2  }
0x8f: {  	_ = 	snop  }
0x90: {  	s2 =	sld [smem:$0x3FD0];
	(tm) =	ssettm $0x1  }
0x91: {  	s18 =	sld [smem:$0x3FFB];
	_ =	sdelay $0x3  }
0x92: {  	_ =	strace s18  }
0x93: {  	s3 =	sld [smem:$0x3FFC];
	_ =	sdelay $0x3  }
0x94: {  	_ =	strace s3  }
0x95: {  	s3 =	sld [smem:$0x3FFD];
	_ =	sdelay $0x3  }
0x96: {  	_ =	strace s3  }
0x97: {  	_ =	strace $0x8FFFFFFF  }
0x98: {  	s19 =	sld [smem:$0x3FDB];
	_ =	sdelay $0x1  }
0x99: {  	s4 =	simm.s32 $_scs_section_size  }
0x9a: {  	s5 =	simm.s32 $_size__tile_overlayer_lowered;
	s6 =	simm.s32 $_tile_overlayer_lowered  }
0x9b: {  	s22 =	simm.s32 $0x1BFF;
	s21 =	sshll.u32 s6, $0x1;
	s3 =	sadd.s32 s4, s19  }
0x9c: {  	s7 =	simm.s32 $0x0;
	s20 =	sshll.u32 s5, $0x1;
	s5 =	sadd.s32 s21, s3  }
0x9d: {  	[timem:s7], [sflag:s22] =	dma.local [hbm:s5], s20  }
0x9e: {  	_ =	swait.ge [sflag:s22], s20  }
0x9f: {  	s4 =	ssub.s32 $0x0, s20;
	[sflag:s22] =	ssyncset.done $0x0  }
0xa0: {  	[sflag:s22] =	ssyncadd.s32 s4;
	_ =	sdelay $0x1  }
0xa1: {  	s23 =	simm.s32 $0x1B8B  }
0xa2: {  	_ =	swait.ge [sflag:s23], $0x1  }
0xa3: {  	[sflag:s23] =	ssyncset.done $0x0  }
0xa4: {  	s25 =	simm.s32 $0x1B8E;
	s24 =	sld [smem:$0x3FFE];
	[sflag:s23] =	ssyncadd.s32 $0xFFFFFFFF  }
0xa5: {  	s26 =	simm.s32 $execute0_lowered;
	[smem:$0x3FD2] =	sst s25  }
0xa6: {  	s5 =	sshll.u32 s26, $0x1;
	_ =	strace $0x80000049;
	[dreg:$0x1] =	wrdreg $0xFFFFFFFF  }
0xa7: {  	s28 =	simm.s32 $_size_execute0_lowered;
	s3 =	sadd.s32 s3, s5;
	[dreg:$0x0] =	wrdreg $0x0  }
0xa8: {  	s5 =	sshll.u32 s28, $0x1;
	[dreg:$0x2] =	wrdreg s3  }
0xa9: {  	[dreg:$0x3] =	wrdreg s5  }
0xaa: {  	[dreg:$0x4] =	wrdreg $0xC0  }
0xab: {  	_ =	task [dreg:s7], $0x5FFFF  }
0xac: {  	[dreg:$0x1] =	wrdreg $0xFFFFFFFF  }
0xad: {  	[dreg:$0x0] =	wrdreg $0x60  }
0xae: {  	[dreg:$0x2] =	wrdreg s2  }
0xaf: {  	[dreg:$0x3] =	wrdreg s24  }
0xb0: {  	[dreg:$0x4] =	wrdreg $0x9  }
0xb1: {  	_ =	task.clear_ibuf [dreg:s7], $0x5FFFF;
	_ =	strace $0x90000049  }
0xb2: {  	s29 =	simm.s32 $0x9;
	_ =	strace $0x8000004B  }
0xb3: {  	_ =	swait.ge [sflag:s29], $0x1  }
0xb4: {  	[sflag:s29] =	ssyncadd.s32 $0xFFFFFFFF  }
0xb5: {  	_ =	strace $0x9000004B  }
0xb6: {  	_ =	sfence  }
0xb7: {  	s30 =	sld [smem:$0x0];
	_ =	sdelay $0x2  }
0xb8: {  	s31 =	sshll.u32 s1, $0xD;
	s1 =	sshrl.u32 s1, $0x2  }
0xb9: {  	s3 =	sand.u32 $0x4000, s31;
	s1 =	sadd.s32 s1, s30  }
0xba: {  	s0 =	sor.u32 s3, s0;
	s1 =	sshll.u32 s1, $0x11  }
0xbb: {  	s0 =	sor.u32 s1, s0  }
0xbc: {  	s0 =	sadd.s32 $0x8F2B, s0  }
0xbd: {  	[sflag:s0] =	ssyncadd.remote.s32 $0x1  }
0xbe: {  	_ =	sfence.sel $0xFFFF  }
0xbf: {  	[dreg:$0x0] =	wrdreg $0xFFFFFFFF;
	(pc) =	sbr.abs _section_cstart, $3  }
0xc0: {  	[dreg:$0x1] =	wrdreg $0xFFFFFFFF  }
0xc1: {  	_ =	task.clear_ibuf [dreg:s7], $0x2FFFF;
	_ =	strace $0x9FFFFFFF  }
0xc2: {  	(tm) =	ssettm $0x7FFFFFFF  }
0xc3: {  	_ =	shalt  }
tec
execute0_lowered:
.L_overlay_start_1:
0x0: {  	(tag) =	ssettag $0x1  }
0x1: {  	s1 =	rddreg [dreg:$0x0]  }
0x2: {  	s0 =	rddreg [dreg:$0x1];
	s3 =	simm.s32 $0x0;
	s2 =	srdreg.scid  }
0x3: {  	s4 =	stileid.u32;
	s13 =	simm.s32 $0x9;
	s14 =	simm.s32 $0x640  }
0x4: {  	s15 =	simm.s32 $0x190;
	s16 =	simm.s32 $0xC80;
	s29 =	simm.s32 $0x960  }
0x5: {  	s31 =	simm.s32 $0xD480;
	s30 =	simm.s32 $0x0;
	[smem:$0x7FF] =	sst s3  }
0x6: {  	s2 =	sand.u32 $0x1, s2;
	s5 =	sshll.u32 s4, $0x1;
	s7 =	smul.u32 $0xC800, s4  }
0x7: {  	s4 =	sadd.s32 $0x16E4200, s0;
	_ =	strace $0x8000004A;
	s6 =	sor.u32 s2, s5  }
0x8: {  	s8 =	smul.u32 $0x6400, s2;
	s5 =	sadd.s32 $0x16FD200, s0;
	[dreg:$0x9] =	wrdreg s29  }
0x9: {  	s2 =	ssub.s32 $0x2, s2;
	[dreg:$0xa] =	wrdreg s31;
	s9 =	smul.u32 $0x6400, s6  }
0xa: {  	s6 =	sadd.s32 $0xA00, s0;
	s17 =	sshrl.u32 s2, $0x1;
	s7 =	sadd.s32 s8, s7  }
0xb: {  	s0 =	ssub.s32 s2, s17;
	s17 =	simm.s32 $0x7D0;
	s18 =	sshrl.u32 s9, $0x3  }
0xc: {  	s8 =	sadd.s32 $0x7D0, s7;
	s10 =	sadd.s32 $0x4B0, s7;
	s0 =	smax.u32 s0, $0x1  }
0xd: {  	s23 =	sor.u32 $0x320, s7;
	s9 =	sadd.s32 s1, s18;
	[dreg:$0xf] =	wrdreg s0  }
0xe: {  	s19 =	sadd.s32 s4, s18;
	s8 =	sshrl.u32 s8, $0x3;
	[dreg:$0xb] =	wrdreg s9  }
0xf: {  	s12 =	sadd.s32 $0x640, s7;
	[dreg:$0xc] =	wrdreg s19;
	s20 =	sadd.s32 s8, s4  }
0x10: {  	s21 =	sshrl.u32 s10, $0x3;
	s8 =	sadd.s32 s8, s1;
	[dreg:$0x3] =	wrdreg s20  }
0x11: {  	s2 =	sor.u32 $0x32, s18;
	s22 =	sadd.s32 s21, s4;
	[dreg:$0x4] =	wrdreg s8  }
0x12: {  	s11 =	sshrl.u32 s23, $0x3;
	s25 =	sadd.s32 s1, s2;
	[dreg:$0x5] =	wrdreg s22  }
0x13: {  	s18 =	simm.s32 $0x7080;
	s24 =	sadd.s32 s21, s1;
	[dreg:$0xd] =	wrdreg s25  }
0x14: {  	s23 =	simm.s32 $0x13880;
	s2 =	sadd.s32 s4, s2;
	[dreg:$0x6] =	wrdreg s24  }
0x15: {  	s26 =	sadd.s32 s11, s4;
	s28 =	sadd.s32 s11, s1;
	[dreg:$0xe] =	wrdreg s2  }
0x16: {  	s19 =	simm.s32 $0x320;
	s21 =	simm.s32 $0x4B0;
	[dreg:$0x7] =	wrdreg s26  }
0x17: {  	[dreg:$0x8] =	wrdreg s28;
	s20 =	simm.s32 $0x1;
	s22 =	simm.s32 $0xAF0  }
0x18: {  	s24 =	simm.s32 $0x2;
	s25 =	simm.s32 $0x5;
	s26 =	simm.s32 $0x4  }
.LBB2_1:
0x19: {  	s0 =	rddreg [dreg:$0xb]  }
0x1a: {  	[tilespmem:s3], [sflag:$0x9] =	stream.linear.gather [hbm4b:s0+s3], $0x190, $0x38;
	[tilespmem:$0x19C80] =	vst v63  }
0x1b: {  	_ =	swait.ge [sflag:s13], $0x190  }
0x1c: {  	[sflag:s13] =	ssyncset.done $0x0  }
0x1d: {  	s28 =	rddreg [dreg:$0xc];
	[sflag:s13] =	ssyncadd.s32 $0xFFFFFE70  }
0x1e: {  	[tilespmem:s14], [sflag:$0x9] =	stream.linear.gather [hbm4b:s28+s3], $0x190, $0x38;
	[tilespmem:$0x19C80] =	vst v63  }
0x1f: {  	_ =	swait.ge [sflag:s13], $0x190  }
0x20: {  	[sflag:s13] =	ssyncset.done $0x0  }
0x21: {  	[sflag:s13] =	ssyncadd.s32 $0xFFFFFE70  }
0x22: {  	[tilespmem:s16], [sflag:$0x1] =	stream.indirect.gather [hbm4b:s5+s15], $0x40, s3, s15, $0xb8;
	[tilespmem:$0x19C80] =	vst v63  }
0x23: {  	s29 =	rddreg [dreg:$0xd]  }
0x24: {  	[tilespmem:s15], [sflag:$0x9] =	stream.linear.gather [hbm4b:s29+s3], $0x190, $0x38;
	[tilespmem:$0x19C80] =	vst v63  }
0x25: {  	_ =	swait.ge [sflag:s13], $0x190  }
0x26: {  	[sflag:s13] =	ssyncset.done $0x0  }
0x27: {  	s2 =	rddreg [dreg:$0xe];
	[sflag:s13] =	ssyncadd.s32 $0xFFFFFE70  }
0x28: {  	[tilespmem:s17], [sflag:$0x9] =	stream.linear.gather [hbm4b:s2+s3], $0x190, $0x38;
	[tilespmem:$0x19C80] =	vst v63  }
0x29: {  	_ =	swait.ge [sflag:s13], $0x190  }
0x2a: {  	p0 =	por $0x1, $0x1;
	[sflag:s13] =	ssyncset.done $0x0  }
0x2b: {  	s0 =	simm.s32 @!p0 $0x7;
	[sflag:s13] =	ssyncadd.s32 $0xFFFFFE70  }
0x2c: {  	[tilespmem:s18], [sflag:$0x2] =	stream.indirect.gather [hbm4b:s5+s15], $0x40, s15, s15, $0xb8;
	[tilespmem:$0x19C80] =	vst v63  }
0x2d: {  	_ =	swait.ge @!p0 [sflag:s0], $0x6400  }
0x2e: {  	s2 =	rddreg [dreg:$0x8];
	[sflag:s0] =	ssyncset.done @!p0 $0x0  }
0x2f: {  	[sflag:s0] =	ssyncadd.s32 @!p0 $0xFFFF9C00;
	s7 =	sadd.s32 $0x0, s2  }
0x30: {  	[tilespmem:s19], [sflag:$0x9] =	stream.linear.gather [hbm4b:s7+s3], $0x190, $0x38;
	[tilespmem:$0x19C80] =	vst v63  }
0x31: {  	_ =	swait.ge [sflag:s13], $0x190  }
0x32: {  	s8 =	rddreg [dreg:$0x7];
	[sflag:s13] =	ssyncset.done $0x0  }
0x33: {  	s9 =	rddreg [dreg:$0x9];
	[sflag:s13] =	ssyncadd.s32 $0xFFFFFE70;
	s0 =	sadd.s32 $0x0, s8  }
0x34: {  	[tilespmem:s9], [sflag:$0x9] =	stream.linear.gather [hbm4b:s0+s3], $0x190, $0x38;
	[tilespmem:$0x19C80] =	vst v63  }
0x35: {  	_ =	swait.ge [sflag:s13], $0x190  }
0x36: {  	[sflag:s13] =	ssyncset.done $0x0  }
0x37: {  	s10 =	rddreg [dreg:$0xa];
	[sflag:s13] =	ssyncadd.s32 $0xFFFFFE70  }
0x38: {  	[tilespmem:s10], [sflag:$0x3] =	stream.indirect.gather [hbm4b:s5+s15], $0x40, s19, s15, $0xb8;
	[tilespmem:$0x19C80] =	vst v63  }
0x39: {  	_ =	swait.ge [sflag:s20], $0x6400  }
0x3a: {  	[sflag:s20] =	ssyncset.done $0x0  }
0x3b: {  	s0 =	simm.s32 @!p0 $0x8;
	[sflag:s20] =	ssyncadd.s32 $0xFFFF9C00  }
0x3c: {  	[hbm4b:s6+s15] =	stream.indirect.scatter [tilespmem:s16], [sflag:$0x5], $0x40, s14, s15, $0xb8;
	[tilespmem:$0x19C80] =	vst v63  }
0x3d: {  	_ =	swait.ge @!p0 [sflag:s0], $0x6400  }
0x3e: {  	s11 =	rddreg [dreg:$0x6];
	[sflag:s0] =	ssyncset.done @!p0 $0x0  }
0x3f: {  	[sflag:s0] =	ssyncadd.s32 @!p0 $0xFFFF9C00;
	s28 =	sadd.s32 $0x0, s11  }
0x40: {  	[tilespmem:s21], [sflag:$0x9] =	stream.linear.gather [hbm4b:s28+s3], $0x190, $0x38;
	[tilespmem:$0x19C80] =	vst v63  }
0x41: {  	_ =	swait.ge [sflag:s13], $0x190  }
0x42: {  	s29 =	rddreg [dreg:$0x5];
	[sflag:s13] =	ssyncset.done $0x0  }
0x43: {  	[sflag:s13] =	ssyncadd.s32 $0xFFFFFE70;
	s0 =	sadd.s32 $0x0, s29  }
0x44: {  	[tilespmem:s22], [sflag:$0x9] =	stream.linear.gather [hbm4b:s0+s3], $0x190, $0x38;
	[tilespmem:$0x19C80] =	vst v63  }
0x45: {  	_ =	swait.ge [sflag:s13], $0x190  }
0x46: {  	[sflag:s13] =	ssyncset.done $0x0  }
0x47: {  	[sflag:s13] =	ssyncadd.s32 $0xFFFFFE70  }
0x48: {  	[tilespmem:s23], [sflag:$0x4] =	stream.indirect.gather [hbm4b:s5+s15], $0x40, s21, s15, $0xb8;
	[tilespmem:$0x19C80] =	vst v63  }
0x49: {  	_ =	swait.ge [sflag:s24], $0x6400  }
0x4a: {  	[sflag:s24] =	ssyncset.done $0x0  }
0x4b: {  	[sflag:s24] =	ssyncadd.s32 $0xFFFF9C00  }
0x4c: {  	[hbm4b:s6+s15] =	stream.indirect.scatter [tilespmem:s18], [sflag:$0x6], $0x40, s17, s15, $0xb8;
	[tilespmem:$0x19C80] =	vst v63  }
0x4d: {  	_ =	swait.ge [sflag:s25], $0x6400  }
0x4e: {  	p0 =	por $0x0, $0x0;
	[sflag:s25] =	ssyncset.done $0x0  }
0x4f: {  	s0 =	simm.s32 @p0 $0x3;
	[sflag:s25] =	ssyncadd.s32 $0xFFFF9C00  }
0x50: {  	_ =	swait.ge @p0 [sflag:s0], $0x6400  }
0x51: {  	s2 =	simm.s32 @p0 $0xD480;
	s7 =	simm.s32 @p0 $0x6;
	[sflag:s0] =	ssyncset.done @p0 $0x0  }
0x52: {  	s8 =	simm.s32 @p0 $0x960;
	[sflag:s0] =	ssyncadd.s32 @p0 $0xFFFF9C00;
	s0 =	simm.s32 @p0 $0x190  }
0x53: {  	[hbm4b:s6+s0] =	stream.indirect.scatter @p0 [tilespmem:s2], [sflag:$0x7], $0x40, s8, s0, $0xb8;
	[tilespmem:$0x19C80] =	vst v63  }
0x54: {  	_ =	swait.ge @p0 [sflag:s7], $0x6400  }
0x55: {  	s0 =	sshrl.u32 @!p0 s12, $0x3;
	s8 =	simm.s32 @!p0 $0x9;
	[sflag:s7] =	ssyncset.done @p0 $0x0  }
0x56: {  	s2 =	sadd.s32 @!p0 s1, s0;
	[sflag:s7] =	ssyncadd.s32 @p0 $0xFFFF9C00;
	s7 =	simm.s32 @!p0 $0x0  }
0x57: {  	[tilespmem:s7], [sflag:$0x9] =	stream.linear.gather @!p0 [hbm4b:s2+s7], $0x190, $0x38;
	[tilespmem:$0x19C80] =	vst v63  }
0x58: {  	_ =	swait.ge @!p0 [sflag:s8], $0x190  }
0x59: {  	[sflag:s8] =	ssyncset.done @!p0 $0x0  }
0x5a: {  	s0 =	sadd.s32 @!p0 s4, s0;
	s2 =	simm.s32 @!p0 $0x640;
	[sflag:s8] =	ssyncadd.s32 @!p0 $0xFFFFFE70  }
0x5b: {  	[tilespmem:s2], [sflag:$0x9] =	stream.linear.gather @!p0 [hbm4b:s0+s7], $0x190, $0x38;
	[tilespmem:$0x19C80] =	vst v63  }
0x5c: {  	_ =	swait.ge @!p0 [sflag:s8], $0x190  }
0x5d: {  	s31 =	simm.s32 @!p0 $0xC80;
	[sflag:s8] =	ssyncset.done @!p0 $0x0  }
0x5e: {  	s0 =	simm.s32 @!p0 $0x3;
	s2 =	simm.s32 @!p0 $0x190;
	[sflag:s8] =	ssyncadd.s32 @!p0 $0xFFFFFE70  }
0x5f: {  	[tilespmem:s31], [sflag:$0x1] =	stream.indirect.gather @!p0 [hbm4b:s5+s2], $0x40, s7, s2, $0xb8;
	[tilespmem:$0x19C80] =	vst v63  }
0x60: {  	_ =	swait.ge @!p0 [sflag:s0], $0x6400  }
0x61: {  	[sflag:s0] =	ssyncset.done @!p0 $0x0  }
0x62: {  	s31 =	simm.s32 @!p0 $0xD480;
	[sflag:s0] =	ssyncadd.s32 @!p0 $0xFFFF9C00;
	s0 =	simm.s32 @!p0 $0x960  }
0x63: {  	[hbm4b:s6+s2] =	stream.indirect.scatter @!p0 [tilespmem:s31], [sflag:$0x7], $0x40, s0, s2, $0xb8;
	[tilespmem:$0x19C80] =	vst v63  }
0x64: {  	s0 =	simm.s32 @!p0 $0x6  }
0x65: {  	_ =	swait.ge @!p0 [sflag:s0], $0x6400  }
0x66: {  	s31 =	rddreg [dreg:$0x4];
	[sflag:s0] =	ssyncset.done @!p0 $0x0  }
0x67: {  	[sflag:s0] =	ssyncadd.s32 @!p0 $0xFFFF9C00;
	s0 =	sadd.s32 @!p0 $0x0, s31  }
0x68: {  	[tilespmem:s2], [sflag:$0x9] =	stream.linear.gather @!p0 [hbm4b:s0+s7], $0x190, $0x38;
	[tilespmem:$0x19C80] =	vst v63  }
0x69: {  	_ =	swait.ge @!p0 [sflag:s8], $0x190  }
0x6a: {  	s0 =	rddreg [dreg:$0x3];
	[sflag:s8] =	ssyncset.done @!p0 $0x0  }
0x6b: {  	s31 =	simm.s32 @!p0 $0x7D0;
	[sflag:s8] =	ssyncadd.s32 @!p0 $0xFFFFFE70;
	s0 =	sadd.s32 @!p0 $0x0, s0  }
0x6c: {  	[tilespmem:s31], [sflag:$0x9] =	stream.linear.gather @!p0 [hbm4b:s0+s7], $0x190, $0x38;
	[tilespmem:$0x19C80] =	vst v63  }
0x6d: {  	_ =	swait.ge @!p0 [sflag:s8], $0x190  }
0x6e: {  	[sflag:s8] =	ssyncset.done @!p0 $0x0  }
0x6f: {  	s0 =	simm.s32 @!p0 $0x7080;
	[sflag:s8] =	ssyncadd.s32 @!p0 $0xFFFFFE70  }
0x70: {  	[tilespmem:s0], [sflag:$0x2] =	stream.indirect.gather @!p0 [hbm4b:s5+s2], $0x40, s2, s2, $0xb8;
	[tilespmem:$0x19C80] =	vst v63  }
0x71: {  	p1 =	por $0x0, $0x0;
	s31 =	simm.s32 $0xC8;
	_ =	swait.ge [sflag:s26], $0x6400  }
0x72: {  	s2 =	simm.s32 $0x190;
	s0 =	sadd.s32 $0x640, s12;
	[sflag:s26] =	ssyncset.done $0x0  }
.LBB2_2:
0x73: {  	s8 =	simm.s32 @!p1 $0x7;
	[sflag:s26] =	ssyncadd.s32 $0xFFFF9C00  }
0x74: {  	[hbm4b:s6+s15] =	stream.indirect.scatter [tilespmem:s23], [sflag:$0x8], $0x40, s22, s15, $0xb8;
	[tilespmem:$0x19C80] =	vst v63  }
0x75: {  	_ =	swait.ge @!p1 [sflag:s8], $0x6400  }
0x76: {  	[sflag:s8] =	ssyncset.done @!p1 $0x0;
	s9 =	rddreg [dreg:$0x8]  }
0x77: {  	[sflag:s8] =	ssyncadd.s32 @!p1 $0xFFFF9C00;
	s11 =	sadd.s32 s31, s9  }
0x78: {  	[tilespmem:s19], [sflag:$0x9] =	stream.linear.gather [hbm4b:s11+s3], $0x190, $0x38;
	[tilespmem:$0x19C80] =	vst v63  }
0x79: {  	_ =	swait.ge [sflag:s13], $0x190  }
0x7a: {  	s28 =	rddreg [dreg:$0x7];
	[sflag:s13] =	ssyncset.done $0x0  }
0x7b: {  	s29 =	rddreg [dreg:$0x9];
	[sflag:s13] =	ssyncadd.s32 $0xFFFFFE70;
	s8 =	sadd.s32 s31, s28  }
0x7c: {  	[tilespmem:s29], [sflag:$0x9] =	stream.linear.gather [hbm4b:s8+s3], $0x190, $0x38;
	[tilespmem:$0x19C80] =	vst v63  }
0x7d: {  	_ =	swait.ge [sflag:s13], $0x190  }
0x7e: {  	[sflag:s13] =	ssyncset.done $0x0  }
0x7f: {  	s10 =	rddreg [dreg:$0xa];
	[sflag:s13] =	ssyncadd.s32 $0xFFFFFE70  }
0x80: {  	[tilespmem:s10], [sflag:$0x3] =	stream.indirect.gather [hbm4b:s5+s15], $0x40, s19, s15, $0xb8;
	[tilespmem:$0x19C80] =	vst v63  }
0x81: {  	_ =	swait.ge [sflag:s20], $0x6400  }
0x82: {  	[sflag:s20] =	ssyncset.done $0x0  }
0x83: {  	s8 =	simm.s32 @!p1 $0x8;
	[sflag:s20] =	ssyncadd.s32 $0xFFFF9C00  }
0x84: {  	[hbm4b:s6+s15] =	stream.indirect.scatter [tilespmem:s16], [sflag:$0x5], $0x40, s14, s15, $0xb8;
	[tilespmem:$0x19C80] =	vst v63  }
0x85: {  	_ =	swait.ge @!p1 [sflag:s8], $0x6400  }
0x86: {  	[sflag:s8] =	ssyncset.done @!p1 $0x0;
	s11 =	rddreg [dreg:$0x6]  }
0x87: {  	[sflag:s8] =	ssyncadd.s32 @!p1 $0xFFFF9C00;
	s28 =	sadd.s32 s31, s11  }
0x88: {  	[tilespmem:s21], [sflag:$0x9] =	stream.linear.gather [hbm4b:s28+s3], $0x190, $0x38;
	[tilespmem:$0x19C80] =	vst v63  }
0x89: {  	_ =	swait.ge [sflag:s13], $0x190  }
0x8a: {  	s29 =	rddreg [dreg:$0x5];
	[sflag:s13] =	ssyncset.done $0x0  }
0x8b: {  	[sflag:s13] =	ssyncadd.s32 $0xFFFFFE70;
	s8 =	sadd.s32 s31, s29  }
0x8c: {  	[tilespmem:s22], [sflag:$0x9] =	stream.linear.gather [hbm4b:s8+s3], $0x190, $0x38;
	[tilespmem:$0x19C80] =	vst v63  }
0x8d: {  	_ =	swait.ge [sflag:s13], $0x190  }
0x8e: {  	[sflag:s13] =	ssyncset.done $0x0  }
0x8f: {  	[sflag:s13] =	ssyncadd.s32 $0xFFFFFE70  }
0x90: {  	[tilespmem:s23], [sflag:$0x4] =	stream.indirect.gather [hbm4b:s5+s15], $0x40, s21, s15, $0xb8;
	[tilespmem:$0x19C80] =	vst v63  }
0x91: {  	_ =	swait.ge [sflag:s24], $0x6400  }
0x92: {  	[sflag:s24] =	ssyncset.done $0x0  }
0x93: {  	[sflag:s24] =	ssyncadd.s32 $0xFFFF9C00  }
0x94: {  	[hbm4b:s6+s15] =	stream.indirect.scatter [tilespmem:s18], [sflag:$0x6], $0x40, s17, s15, $0xb8;
	[tilespmem:$0x19C80] =	vst v63  }
0x95: {  	_ =	swait.ge [sflag:s25], $0x6400  }
0x96: {  	p1 =	seq.s32 s31, $0xBB8;
	[sflag:s25] =	ssyncset.done $0x0  }
0x97: {  	s8 =	simm.s32 @p1 $0x3;
	[sflag:s25] =	ssyncadd.s32 $0xFFFF9C00  }
0x98: {  	_ =	swait.ge @p1 [sflag:s8], $0x6400  }
0x99: {  	s11 =	simm.s32 @p1 $0xD480;
	s28 =	simm.s32 @p1 $0x6;
	[sflag:s8] =	ssyncset.done @p1 $0x0  }
0x9a: {  	s29 =	simm.s32 @p1 $0x960;
	[sflag:s8] =	ssyncadd.s32 @p1 $0xFFFF9C00;
	s8 =	simm.s32 @p1 $0x190  }
0x9b: {  	[hbm4b:s6+s8] =	stream.indirect.scatter @p1 [tilespmem:s11], [sflag:$0x7], $0x40, s29, s8, $0xb8;
	[tilespmem:$0x19C80] =	vst v63  }
0x9c: {  	s9 =	sshrl.u32 @!p1 s0, $0x3;
	_ =	swait.ge @p1 [sflag:s28], $0x6400  }
0x9d: {  	s10 =	sadd.s32 @!p1 s1, s9;
	[sflag:s28] =	ssyncset.done @p1 $0x0  }
0x9e: {  	s11 =	simm.s32 @!p1 $0x0;
	s8 =	simm.s32 @!p1 $0x9;
	[sflag:s28] =	ssyncadd.s32 @p1 $0xFFFF9C00  }
0x9f: {  	[tilespmem:s11], [sflag:$0x9] =	stream.linear.gather @!p1 [hbm4b:s10+s11], $0x190, $0x38;
	[tilespmem:$0x19C80] =	vst v63  }
0xa0: {  	_ =	swait.ge @!p1 [sflag:s8], $0x190  }
0xa1: {  	[sflag:s8] =	ssyncset.done @!p1 $0x0  }
0xa2: {  	s9 =	sadd.s32 @!p1 s4, s9;
	s10 =	simm.s32 @!p1 $0x640;
	[sflag:s8] =	ssyncadd.s32 @!p1 $0xFFFFFE70  }
0xa3: {  	[tilespmem:s10], [sflag:$0x9] =	stream.linear.gather @!p1 [hbm4b:s9+s11], $0x190, $0x38;
	[tilespmem:$0x19C80] =	vst v63  }
0xa4: {  	_ =	swait.ge @!p1 [sflag:s8], $0x190  }
0xa5: {  	s28 =	simm.s32 @!p1 $0xC80;
	[sflag:s8] =	ssyncset.done @!p1 $0x0  }
0xa6: {  	s9 =	simm.s32 @!p1 $0x3;
	s10 =	simm.s32 @!p1 $0x190;
	[sflag:s8] =	ssyncadd.s32 @!p1 $0xFFFFFE70  }
0xa7: {  	[tilespmem:s28], [sflag:$0x1] =	stream.indirect.gather @!p1 [hbm4b:s5+s10], $0x40, s11, s10, $0xb8;
	[tilespmem:$0x19C80] =	vst v63  }
0xa8: {  	_ =	swait.ge @!p1 [sflag:s9], $0x6400  }
0xa9: {  	s29 =	simm.s32 @!p1 $0xD480;
	[sflag:s9] =	ssyncset.done @!p1 $0x0  }
0xaa: {  	s28 =	simm.s32 @!p1 $0x6;
	[sflag:s9] =	ssyncadd.s32 @!p1 $0xFFFF9C00;
	s9 =	simm.s32 @!p1 $0x960  }
0xab: {  	[hbm4b:s6+s10] =	stream.indirect.scatter @!p1 [tilespmem:s29], [sflag:$0x7], $0x40, s9, s10, $0xb8;
	[tilespmem:$0x19C80] =	vst v63  }
0xac: {  	_ =	swait.ge @!p1 [sflag:s28], $0x6400  }
0xad: {  	s9 =	rddreg [dreg:$0x4];
	[sflag:s28] =	ssyncset.done @!p1 $0x0  }
0xae: {  	[sflag:s28] =	ssyncadd.s32 @!p1 $0xFFFF9C00;
	s9 =	sadd.s32 @!p1 s31, s9  }
0xaf: {  	[tilespmem:s10], [sflag:$0x9] =	stream.linear.gather @!p1 [hbm4b:s9+s11], $0x190, $0x38;
	[tilespmem:$0x19C80] =	vst v63  }
0xb0: {  	s7 =	smov.u32 s2;
	_ =	swait.ge @!p1 [sflag:s8], $0x190  }
0xb1: {  	s2 =	sadd.s32 $0xC8, s2;
	s9 =	rddreg [dreg:$0x3];
	[sflag:s8] =	ssyncset.done @!p1 $0x0  }
0xb2: {  	s28 =	simm.s32 @!p1 $0x7D0;
	[sflag:s8] =	ssyncadd.s32 @!p1 $0xFFFFFE70;
	s9 =	sadd.s32 @!p1 s31, s9  }
0xb3: {  	[tilespmem:s28], [sflag:$0x9] =	stream.linear.gather @!p1 [hbm4b:s9+s11], $0x190, $0x38;
	[tilespmem:$0x19C80] =	vst v63  }
0xb4: {  	p0 =	sne.s32 s2, $0xC80;
	_ =	swait.ge @!p1 [sflag:s8], $0x190  }
.Ltmp0:
0xb5: {  	[sflag:s8] =	ssyncset.done @!p1 $0x0;
	(pc) =	sbr.rel @p0 .LBB2_2-.Ltmp0, $4  }
0xb6: {  	s31 =	smov.u32 s7;
	s7 =	simm.s32 @!p1 $0x7080;
	[sflag:s8] =	ssyncadd.s32 @!p1 $0xFFFFFE70  }
0xb7: {  	[tilespmem:s7], [sflag:$0x2] =	stream.indirect.gather @!p1 [hbm4b:s5+s10], $0x40, s10, s10, $0xb8;
	[tilespmem:$0x19C80] =	vst v63  }
0xb8: {  	_ =	swait.ge [sflag:s26], $0x6400  }
0xb9: {  	s0 =	sadd.s32 $0x640, s0;
	p1 =	seq.s32 s31, $0x0;
	[sflag:s26] =	ssyncset.done $0x0  }
0xba: {  	s2 =	simm.s32 @!p1 $0x7;
	[sflag:s26] =	ssyncadd.s32 $0xFFFF9C00  }
0xbb: {  	[hbm4b:s6+s15] =	stream.indirect.scatter [tilespmem:s23], [sflag:$0x8], $0x40, s22, s15, $0xb8;
	[tilespmem:$0x19C80] =	vst v63  }
0xbc: {  	_ =	swait.ge @!p1 [sflag:s2], $0x6400  }
0xbd: {  	s7 =	rddreg [dreg:$0x8];
	[sflag:s2] =	ssyncset.done @!p1 $0x0  }
0xbe: {  	[sflag:s2] =	ssyncadd.s32 @!p1 $0xFFFF9C00;
	s11 =	sadd.s32 s31, s7  }
0xbf: {  	[tilespmem:s19], [sflag:$0x9] =	stream.linear.gather [hbm4b:s11+s3], $0x190, $0x38;
	[tilespmem:$0x19C80] =	vst v63  }
0xc0: {  	_ =	swait.ge [sflag:s13], $0x190  }
0xc1: {  	s28 =	rddreg [dreg:$0x7];
	[sflag:s13] =	ssyncset.done $0x0  }
0xc2: {  	s29 =	rddreg [dreg:$0x9];
	[sflag:s13] =	ssyncadd.s32 $0xFFFFFE70;
	s2 =	sadd.s32 s31, s28  }
0xc3: {  	[tilespmem:s29], [sflag:$0x9] =	stream.linear.gather [hbm4b:s2+s3], $0x190, $0x38;
	[tilespmem:$0x19C80] =	vst v63  }
0xc4: {  	_ =	swait.ge [sflag:s13], $0x190  }
0xc5: {  	[sflag:s13] =	ssyncset.done $0x0  }
0xc6: {  	s8 =	rddreg [dreg:$0xa];
	[sflag:s13] =	ssyncadd.s32 $0xFFFFFE70  }
0xc7: {  	[tilespmem:s8], [sflag:$0x3] =	stream.indirect.gather [hbm4b:s5+s15], $0x40, s19, s15, $0xb8;
	[tilespmem:$0x19C80] =	vst v63  }
0xc8: {  	_ =	swait.ge [sflag:s20], $0x6400  }
0xc9: {  	[sflag:s20] =	ssyncset.done $0x0  }
0xca: {  	s2 =	simm.s32 @!p1 $0x8;
	[sflag:s20] =	ssyncadd.s32 $0xFFFF9C00  }
0xcb: {  	[hbm4b:s6+s15] =	stream.indirect.scatter [tilespmem:s16], [sflag:$0x5], $0x40, s14, s15, $0xb8;
	[tilespmem:$0x19C80] =	vst v63  }
0xcc: {  	_ =	swait.ge @!p1 [sflag:s2], $0x6400  }
0xcd: {  	s9 =	rddreg [dreg:$0x6];
	[sflag:s2] =	ssyncset.done @!p1 $0x0  }
0xce: {  	[sflag:s2] =	ssyncadd.s32 @!p1 $0xFFFF9C00;
	s10 =	sadd.s32 s31, s9  }
0xcf: {  	[tilespmem:s21], [sflag:$0x9] =	stream.linear.gather [hbm4b:s10+s3], $0x190, $0x38;
	[tilespmem:$0x19C80] =	vst v63  }
0xd0: {  	_ =	swait.ge [sflag:s13], $0x190  }
0xd1: {  	s11 =	rddreg [dreg:$0x5];
	[sflag:s13] =	ssyncset.done $0x0  }
0xd2: {  	[sflag:s13] =	ssyncadd.s32 $0xFFFFFE70;
	s2 =	sadd.s32 s31, s11  }
0xd3: {  	[tilespmem:s22], [sflag:$0x9] =	stream.linear.gather [hbm4b:s2+s3], $0x190, $0x38;
	[tilespmem:$0x19C80] =	vst v63  }
0xd4: {  	_ =	swait.ge [sflag:s13], $0x190  }
0xd5: {  	[sflag:s13] =	ssyncset.done $0x0  }
0xd6: {  	[sflag:s13] =	ssyncadd.s32 $0xFFFFFE70  }
0xd7: {  	[tilespmem:s23], [sflag:$0x4] =	stream.indirect.gather [hbm4b:s5+s15], $0x40, s21, s15, $0xb8;
	[tilespmem:$0x19C80] =	vst v63  }
0xd8: {  	_ =	swait.ge [sflag:s24], $0x6400  }
0xd9: {  	[sflag:s24] =	ssyncset.done $0x0  }
0xda: {  	[sflag:s24] =	ssyncadd.s32 $0xFFFF9C00  }
0xdb: {  	[hbm4b:s6+s15] =	stream.indirect.scatter [tilespmem:s18], [sflag:$0x6], $0x40, s17, s15, $0xb8;
	[tilespmem:$0x19C80] =	vst v63  }
0xdc: {  	_ =	swait.ge [sflag:s25], $0x6400  }
0xdd: {  	p0 =	seq.s32 s31, $0xBB8;
	[sflag:s25] =	ssyncset.done $0x0  }
0xde: {  	s2 =	simm.s32 @p0 $0x3;
	[sflag:s25] =	ssyncadd.s32 $0xFFFF9C00  }
0xdf: {  	_ =	swait.ge @p0 [sflag:s2], $0x6400  }
0xe0: {  	s7 =	simm.s32 @p0 $0xD480;
	s8 =	simm.s32 @p0 $0x6;
	[sflag:s2] =	ssyncset.done @p0 $0x0  }
0xe1: {  	s9 =	simm.s32 @p0 $0x960;
	[sflag:s2] =	ssyncadd.s32 @p0 $0xFFFF9C00;
	s2 =	simm.s32 @p0 $0x190  }
0xe2: {  	[hbm4b:s6+s2] =	stream.indirect.scatter @p0 [tilespmem:s7], [sflag:$0x7], $0x40, s9, s2, $0xb8;
	[tilespmem:$0x19C80] =	vst v63  }
0xe3: {  	s0 =	sshrl.u32 @!p0 s0, $0x3;
	_ =	swait.ge @p0 [sflag:s8], $0x6400  }
0xe4: {  	s2 =	sadd.s32 @!p0 s1, s0;
	[sflag:s8] =	ssyncset.done @p0 $0x0  }
0xe5: {  	s7 =	simm.s32 @!p0 $0x0;
	[sflag:s8] =	ssyncadd.s32 @p0 $0xFFFF9C00;
	s8 =	simm.s32 @!p0 $0x9  }
0xe6: {  	[tilespmem:s7], [sflag:$0x9] =	stream.linear.gather @!p0 [hbm4b:s2+s7], $0x190, $0x38;
	[tilespmem:$0x19C80] =	vst v63  }
0xe7: {  	_ =	swait.ge @!p0 [sflag:s8], $0x190  }
0xe8: {  	[sflag:s8] =	ssyncset.done @!p0 $0x0  }
0xe9: {  	s0 =	sadd.s32 @!p0 s4, s0;
	s2 =	simm.s32 @!p0 $0x640;
	[sflag:s8] =	ssyncadd.s32 @!p0 $0xFFFFFE70  }
0xea: {  	[tilespmem:s2], [sflag:$0x9] =	stream.linear.gather @!p0 [hbm4b:s0+s7], $0x190, $0x38;
	[tilespmem:$0x19C80] =	vst v63  }
0xeb: {  	_ =	swait.ge @!p0 [sflag:s8], $0x190  }
0xec: {  	s9 =	simm.s32 @!p0 $0xC80;
	[sflag:s8] =	ssyncset.done @!p0 $0x0  }
0xed: {  	s0 =	simm.s32 @!p0 $0x3;
	s2 =	simm.s32 @!p0 $0x190;
	[sflag:s8] =	ssyncadd.s32 @!p0 $0xFFFFFE70  }
0xee: {  	[tilespmem:s9], [sflag:$0x1] =	stream.indirect.gather @!p0 [hbm4b:s5+s2], $0x40, s7, s2, $0xb8;
	[tilespmem:$0x19C80] =	vst v63  }
0xef: {  	_ =	swait.ge @!p0 [sflag:s0], $0x6400  }
0xf0: {  	[sflag:s0] =	ssyncset.done @!p0 $0x0  }
0xf1: {  	s9 =	simm.s32 @!p0 $0xD480;
	[sflag:s0] =	ssyncadd.s32 @!p0 $0xFFFF9C00;
	s0 =	simm.s32 @!p0 $0x960  }
0xf2: {  	[hbm4b:s6+s2] =	stream.indirect.scatter @!p0 [tilespmem:s9], [sflag:$0x7], $0x40, s0, s2, $0xb8;
	[tilespmem:$0x19C80] =	vst v63  }
0xf3: {  	s0 =	simm.s32 @!p0 $0x6  }
0xf4: {  	_ =	swait.ge @!p0 [sflag:s0], $0x6400  }
0xf5: {  	s9 =	rddreg [dreg:$0x4];
	[sflag:s0] =	ssyncset.done @!p0 $0x0  }
0xf6: {  	[sflag:s0] =	ssyncadd.s32 @!p0 $0xFFFF9C00;
	s0 =	sadd.s32 @!p0 s31, s9  }
0xf7: {  	[tilespmem:s2], [sflag:$0x9] =	stream.linear.gather @!p0 [hbm4b:s0+s7], $0x190, $0x38;
	[tilespmem:$0x19C80] =	vst v63  }
0xf8: {  	_ =	swait.ge @!p0 [sflag:s8], $0x190  }
0xf9: {  	s0 =	rddreg [dreg:$0x3];
	[sflag:s8] =	ssyncset.done @!p0 $0x0  }
0xfa: {  	s9 =	simm.s32 @!p0 $0x7D0;
	[sflag:s8] =	ssyncadd.s32 @!p0 $0xFFFFFE70;
	s0 =	sadd.s32 @!p0 s31, s0  }
0xfb: {  	[tilespmem:s9], [sflag:$0x9] =	stream.linear.gather @!p0 [hbm4b:s0+s7], $0x190, $0x38;
	[tilespmem:$0x19C80] =	vst v63  }
0xfc: {  	_ =	swait.ge @!p0 [sflag:s8], $0x190  }
0xfd: {  	[sflag:s8] =	ssyncset.done @!p0 $0x0  }
0xfe: {  	s0 =	simm.s32 @!p0 $0x7080;
	[sflag:s8] =	ssyncadd.s32 @!p0 $0xFFFFFE70  }
0xff: {  	[tilespmem:s0], [sflag:$0x2] =	stream.indirect.gather @!p0 [hbm4b:s5+s2], $0x40, s2, s2, $0xb8;
	[tilespmem:$0x19C80] =	vst v63  }
0x100: {  	_ =	swait.ge [sflag:s26], $0x6400  }
0x101: {  	[sflag:s26] =	ssyncset.done $0x0  }
0x102: {  	s28 =	simm.s32 $0x7;
	[sflag:s26] =	ssyncadd.s32 $0xFFFF9C00  }
0x103: {  	[hbm4b:s6+s15] =	stream.indirect.scatter [tilespmem:s23], [sflag:$0x8], $0x40, s22, s15, $0xb8;
	[tilespmem:$0x19C80] =	vst v63  }
0x104: {  	_ =	swait.ge [sflag:s28], $0x6400  }
0x105: {  	[sflag:s28] =	ssyncset.done $0x0  }
0x106: {  	s29 =	simm.s32 $0x8;
	[sflag:s28] =	ssyncadd.s32 $0xFFFF9C00  }
0x107: {  	_ =	swait.ge [sflag:s29], $0x6400  }
0x108: {  	s30 =	sadd.s32 $0x1, s30;
	s31 =	rddreg [dreg:$0xf]  }
0x109: {  	p0 =	sne.s32 s30, s31  }
.Ltmp1:
0x10a: {  	_ = 	snop;
	(pc) =	sbr.rel @p0 .LBB2_1-.Ltmp1, $3  }
0x10b: {  	_ =	sdelay $0x1  }
0x10c: {  	[sflag:s29] =	ssyncset.done $0x0  }
0x10d: {  	[sflag:s29] =	ssyncadd.s32 $0xFFFF9C00  }
0x10e: {  	_ =	sfence.sel $0x180000  }
0x10f: {  	[bflag:$0x0] =	sbarrier.arrive $0xFFFF  }
0x110: {  	_ =	strace $0x9000004A  }
0x111: {  	s0 =	stileid.u32;
	[bflag:$0x2] =	sbarrier.arrive $0xFFFF  }
0x112: {  	p0 =	sne.s32 s0, $0x0;
	s0 =	rddreg [dreg:$0x2]  }
0x113: {  	s0 =	sadd.s32 @!p0 $0x100000, s0  }
0x114: {  	[sflag:s0] =	ssyncadd.tile.s32 @!p0 $0x1;
	_ =	shalt  }
.Lfunc_end2:
_tile_overlayer_lowered:
.L_overlay_start_2:
0x115: {  	(tag) =	ssettag $0x2  }
0x116: {  	s0 =	rddreg [dreg:$0x0];
	s2 =	stileid.u32  }
0x117: {  	s1 =	rddreg [dreg:$0x1];
	p0 =	sne.s32 s2, $0x0  }
0x118: {  	s3 =	rddreg [dreg:$0x2];
	[bflag:$0x3] =	sbarrier.arrive $0xFFFF;
	s2 =	simm.s32 @!p0 $0x1C09  }
0x119: {  	[timem:s3], [sflag:s2] =	dma.local @!p0 [hbm:s0], s1  }
0x11a: {  	s0 =	simm.s32 @!p0 $0x9  }
0x11b: {  	_ =	swait.ge @!p0 [sflag:s0], s1  }
0x11c: {  	s1 =	ssub.s32 @!p0 $0x0, s1;
	[sflag:s0] =	ssyncset.done @!p0 $0x0  }
0x11d: {  	[sflag:s0] =	ssyncadd.s32 @!p0 s1  }
0x11e: {  	[bflag:$0x3] =	sbarrier.arrive $0xFFFF  }
0x11f: {  	_ =	shalt  }

// kernel: sparse-core-data-format-call.1.cloned.1.call-start
scs
called_computation.1_lowered:
.L_overlay_start_0:
0x0: {  	s1 =	sld [smem:$0x3FD9]  }
0x1: {  	s2 =	sld [smem:$0x3FFE];
	_ =	sdelay $0x1  }
0x2: {  	s3 =	srdreg.scid  }
0x3: {  	s0 =	sand.u32 $0x1, s3  }
0x4: {  	s17 =	sshll.u32 s0, $0xA;
	s1 =	sadd.s32 s2, s1  }
0x5: {  	s1 =	sadd.s32 s1, s17  }
0x6: {  	[smem:$0x3FC6] =	sst s1  }
0x7: {  	_ = 	snop  }
0x8: {  	(tm) =	ssettm $0x1  }
0x9: {  	s18 =	sld [smem:$0x3FFB];
	_ =	sdelay $0x3  }
0xa: {  	_ =	strace s18  }
0xb: {  	s1 =	sld [smem:$0x3FFC];
	_ =	sdelay $0x3  }
0xc: {  	_ =	strace s1  }
0xd: {  	s1 =	sld [smem:$0x3FFD];
	_ =	sdelay $0x3  }
0xe: {  	_ =	strace s1  }
0xf: {  	_ =	strace $0x8FFFFFFF  }
0x10: {  	s19 =	sld [smem:$0x3FDB];
	_ =	sdelay $0x1  }
0x11: {  	s20 =	simm.s32 $_scs_section_size  }
0x12: {  	s4 =	simm.s32 $_size__tile_overlayer_lowered;
	s5 =	simm.s32 $_tile_overlayer_lowered  }
0x13: {  	s23 =	simm.s32 $0x1BFF;
	s22 =	sshll.u32 s5, $0x1;
	s1 =	sadd.s32 s20, s19  }
0x14: {  	s6 =	simm.s32 $0x0;
	s21 =	sshll.u32 s4, $0x1;
	s4 =	sadd.s32 s22, s1  }
0x15: {  	[timem:s6], [sflag:s23] =	dma.local [hbm:s4], s21  }
0x16: {  	_ =	swait.ge [sflag:s23], s21  }
0x17: {  	s2 =	ssub.s32 $0x0, s21;
	[sflag:s23] =	ssyncset.done $0x0  }
0x18: {  	[sflag:s23] =	ssyncadd.s32 s2;
	_ =	sdelay $0x1  }
0x19: {  	s24 =	simm.s32 $0x1B8B  }
0x1a: {  	_ =	swait.ge [sflag:s24], $0x1  }
0x1b: {  	[sflag:s24] =	ssyncset.done $0x0  }
0x1c: {  	s26 =	simm.s32 $0x1B8E;
	s25 =	sld [smem:$0x3FFE];
	[sflag:s24] =	ssyncadd.s32 $0xFFFFFFFF  }
0x1d: {  	s27 =	simm.s32 $execute0_lowered;
	[smem:$0x3FD2] =	sst s26  }
0x1e: {  	s4 =	sshll.u32 s27, $0x1;
	_ =	strace $0x80000046;
	[dreg:$0x1] =	wrdreg $0xFFFFFFFF  }
0x1f: {  	s28 =	simm.s32 $_size_execute0_lowered;
	s1 =	sadd.s32 s1, s4;
	[dreg:$0x0] =	wrdreg $0x0  }
0x20: {  	s4 =	sshll.u32 s28, $0x1;
	[dreg:$0x2] =	wrdreg s1  }
0x21: {  	[dreg:$0x3] =	wrdreg s4  }
0x22: {  	[dreg:$0x4] =	wrdreg $0xC0  }
0x23: {  	_ =	task [dreg:s6], $0x5FFFF  }
0x24: {  	[dreg:$0x1] =	wrdreg $0xFFFFFFFF  }
0x25: {  	[dreg:$0x0] =	wrdreg $0x60  }
0x26: {  	[dreg:$0x2] =	wrdreg s25  }
0x27: {  	[dreg:$0x3] =	wrdreg $0x9  }
0x28: {  	_ =	task.clear_ibuf [dreg:s6], $0x4FFFF;
	_ =	strace $0x90000046  }
0x29: {  	s29 =	simm.s32 $0x9;
	_ =	strace $0x80000048  }
0x2a: {  	_ =	swait.ge [sflag:s29], $0x1  }
0x2b: {  	[sflag:s29] =	ssyncadd.s32 $0xFFFFFFFF  }
0x2c: {  	_ =	strace $0x90000048  }
0x2d: {  	_ =	sfence  }
0x2e: {  	s30 =	sld [smem:$0x0];
	_ =	sdelay $0x2  }
0x2f: {  	s31 =	sshll.u32 s3, $0xD;
	s3 =	sshrl.u32 s3, $0x2  }
0x30: {  	s2 =	sand.u32 $0x4000, s31;
	s1 =	sadd.s32 s3, s30  }
0x31: {  	s0 =	sor.u32 s2, s0;
	s1 =	sshll.u32 s1, $0x11  }
0x32: {  	s0 =	sor.u32 s1, s0  }
0x33: {  	s0 =	sadd.s32 $0x8F2B, s0  }
0x34: {  	[sflag:s0] =	ssyncadd.remote.s32 $0x1  }
0x35: {  	_ =	sfence.sel $0xFFFF  }
0x36: {  	[dreg:$0x0] =	wrdreg $0xFFFFFFFF;
	(pc) =	sbr.abs _section_cstart, $3  }
0x37: {  	[dreg:$0x1] =	wrdreg $0xFFFFFFFF  }
0x38: {  	_ =	task.clear_ibuf [dreg:s6], $0x2FFFF;
	_ =	strace $0x9FFFFFFF  }
0x39: {  	(tm) =	ssettm $0x7FFFFFFF  }
tec
execute0_lowered:
.L_overlay_start_1:
0x0: {  	(tag) =	ssettag $0x1  }
0x1: {  	s0 =	srdreg.scid  }
0x2: {  	s5 =	rddreg [dreg:$0x0];
	s1 =	stileid.u32;
	s4 =	simm.s32 $0x1  }
0x3: {  	s6 =	simm.s32 $0x2;
	s15 =	simm.s32 $0x0;
	p0 =	por $0x0, $0x0  }
0x4: {  	s8 =	simm.s32 $0x80;
	s14 =	simm.s32 $0x0;
	s2 =	sshll.u32 s0, $0x4  }
0x5: {  	s9 =	simm.s32 $0x0;
	s10 =	simm.s32 $0x0;
	s2 =	sand.u32 $0x10, s2  }
.Ltmp0:
0x6: {  	s12 =	simm.s32 $0x0;
	s3 =	sor.u32 s1, s2;
	(pc) =	sbr.rel .LBB1_1-.Ltmp0, $4  }
0x7: {  	s0 =	rddreg [dreg:$0x1];
	_ =	strace $0x80000047;
	s3 =	sshll.u32 s3, $0x7  }
0x8: {  	s13 =	simm.s32 $0x0;
	[sflag:s4] =	ssyncpa.u1 $0x0;
	s7 =	ssub.s32 $0xF4200, s3  }
0x9: {  	s2 =	sadd.s32 $0xA00, s5;
	[sflag:s6] =	ssyncpa.u1 $0x0;
	s6 =	sshrl.u32 s7, $0xC  }
0xa: {  	s5 =	sadd.s32 $0x7A1E00, s5;
	s11 =	smov.u32 s3;
	s7 =	sadd.s32 $0x2, s6  }
.LBB1_5:
0xb: {  	p1 =	slt.u32 s13, $0x2  }
0xc: {  	s17 =	smov.u32 s15;
	p2 =	sgt.s32 @!p1 s15, $0xF41C0;
	s16 =	sshra.s32 @!p1 s15, $0x1F  }
0xd: {  	p3 =	sgt.s32 @!p1 s14, $0x40;
	s18 =	sshra.s32 @!p1 s14, $0x1F;
	p2 =	por !p2, p1  }
0xe: {  	s15 =	sand.u32 @!p1 s16, s15;
	p3 =	por !p3, p1;
	s16 =	smov.u32 s14  }
0xf: {  	s14 =	sand.u32 @!p1 s18, s14;
	s17 =	simm.s32 @p2 $0xF41C0;
	s16 =	simm.s32 @p3 $0x40  }
0x10: {  	s15 =	ssub.s32 @!p1 s17, s15;
	s14 =	ssub.s32 @!p1 s16, s14  }
0x11: {  	s18 =	smov.u32 s12;
	s16 =	sadd.s32 @!p1 $0xFFF0BE40, s15;
	s17 =	sadd.s32 @!p1 $0xFFFFFFC0, s14  }
0x12: {  	s15 =	ssub.s32 @!p1 $0xF4240, s15;
	p2 =	sgt.s32 @!p1 s16, $0x7F;
	p3 =	sgt.s32 @!p1 s17, $0x3F  }
0x13: {  	s14 =	ssub.s32 @!p1 $0x80, s14;
	p2 =	por !p2, p1;
	p3 =	por !p3, p1  }
0x14: {  	s16 =	sadd.s32 $0x1000, s11;
	s15 =	simm.s32 @!p2 $0x0;
	s14 =	simm.s32 @!p3 $0x0  }
0x15: {  	p2 =	sgt.s32 s16, $0xF423F;
	s14 =	smul.u32 @!p1 s14, s15;
	s15 =	sadd.s32 $0x40, s12  }
0x16: {  	s18 =	smov.u32 @p2 s15  }
0x17: {  	s16 =	smov.u32 @p2 s3;
	p2 =	sgt.s32 s18, $0x3F  }
0x18: {  	s18 =	simm.s32 @p2 $0x0;
	p2 =	sne.s32 s13, s7  }
.Ltmp1:
0x19: {  	p0 =	por !p0, !p0;
	s17 =	simm.s32 @!p1 $0x2;
	(pc) =	sbr.rel @!p2 .LBB1_6-.Ltmp1, $4  }
0x1a: {  	s15 =	smov.u32 s9;
	s9 =	smov.u32 s11;
	s14 =	sand.u32 @!p1 $0x3FFFFFFF, s14  }
0x1b: {  	s11 =	smov.u32 s16;
	_ =	swait.ge @!p1 [sflag:s17], s14;
	s19 =	ssub.s32 @!p1 $0x0, s14  }
0x1c: {  	s14 =	smov.u32 s10;
	s13 =	sadd.s32 $0x1, s13;
	[sflag:s17] =	ssyncset.done @!p1 $0x0  }
0x1d: {  	s10 =	smov.u32 s12;
	s12 =	smov.u32 s18;
	[sflag:s17] =	ssyncadd.s32 @!p1 s19  }
.LBB1_1:
0x1e: {  	p1 =	sgt.u32 s13, s6  }
0x1f: {  	s16 =	sshrl.u32 @!p1 s12, $0x3  }
0x20: {  	s17 =	sshll.u32 @!p1 s11, $0x3;
	s16 =	smul.u32 @!p1 $0x7A1400, s16  }
0x21: {  	s18 =	sshll.u32 @!p1 s12, $0x7;
	s17 =	sand.u32 @!p1 $0xFFFFFC00, s17  }
0x22: {  	s16 =	sadd.s32 @!p1 s16, s17;
	s17 =	sand.u32 @!p1 $0x380, s18  }
0x23: {  	s18 =	sand.u32 @!p1 $0x7F, s11;
	s16 =	sor.u32 @!p1 s17, s16  }
0x24: {  	s17 =	sor.u32 @!p1 s18, s16  }
0x25: {  	s18 =	smulhi.u32 @!p1 $0x218D6287, s17;
	_ =	sdelay $0x1  }
0x26: {  	s16 =	smulhi.u32 @!p1 $0x218D6287, s16;
	s18 =	sshrl.u32 @!p1 s18, $0x11  }
0x27: {  	s18 =	smul.u32 @!p1 $0xF4280, s18  }
0x28: {  	s19 =	sxor.u32 @!p1 $0xFFFFFFFF, s13;
	s16 =	sshrl.u32 @!p1 s16, $0x11  }
0x29: {  	s19 =	sshll.u32 @!p1 s19, $0xD;
	s16 =	sand.u32 @!p1 $0x3F, s16;
	s17 =	ssub.s32 @!p1 s17, s18  }
0x2a: {  	s16 =	smul.u32 @!p1 $0x1E850, s16;
	s18 =	sshrl.u32 @!p1 s17, $0x3;
	s17 =	sand.u32 @!p1 $0x7, s17  }
0x2b: {  	s19 =	sand.u32 @!p1 $0x2000, s19;
	s18 =	sadd.s32 @!p1 s2, s18;
	s17 =	sshll.u32 @!p1 s17, $0x12  }
0x2c: {  	s16 =	sadd.s32 @!p1 s16, s18;
	s17 =	sor.u32 @!p1 $0x400, s17;
	s18 =	simm.s32 @!p1 $0x7A1400  }
0x2d: {  	[tilespmem:s19], [sflag:$0x1] =	stream.strided.gather @!p1 [hbm4b:s16+s17], $0x2000, s18, s17, $0x38;
	[tilespmem:$0x8100] =	vst v63  }
0x2e: {  	p1 =	seq.s32 s13, $0x0  }
0x2f: {  	p2 =	sge.u32 @!p1 s13, s7  }
0x30: {  	p1 =	por p1, p2  }
.Ltmp2:
0x31: {  	_ = 	snop;
	(pc) =	sbr.rel @p1 .LBB1_5-.Ltmp2, $1  }
0x32: {  	_ =	sdelay $0x3  }
0x33: {  	s16 =	simm.s32 $0x1  }
0x34: {  	_ =	swait.ge [sflag:s4], $0x2000;
	s16 =	simm.s32 @!p0 $0x0  }
0x35: {  	[sflag:s4] =	ssyncset.done $0x0;
	s17 =	sshll.u32 s16, $0xD  }
0x36: {  	[sflag:s4] =	ssyncadd.s32 $0xFFFFE000;
	s17 =	sor.u32 $0x40, s17  }
0x37: {  	s16 =	smul.u32 $0x8200, s16;
	v0 =	vld [tilespmem:s17+$0x30]  }
0x38: {  	v1 =	vld [tilespmem:s17+$0xFFFFFFD0]  }
0x39: {  	s16 =	sshrl.u32 s16, $0x2;
	v5 =	vld [tilespmem:s17+$0xFFFFFFE0]  }
0x3a: {  	v6 =	vld [tilespmem:s17+$0xFFFFFFF0];
	s19 =	sor.u32 $0x4000, s16  }
0x3b: {  	s31 =	sand.u32 $0x1, s13;
	v4 =	vld [tilespmem:s17+$0x0];
	s18 =	sadd.s32 $0x0, s19  }
0x3c: {  	v3 =	vld [tilespmem:s17+$0x10];
	s16 =	smul.u32 $0x8200, s31;
	[tilespmem:s18+$0x1C70 ss:$0x41] =	vst.msk $0xffff, v0  }
0x3d: {  	v2 =	vld [tilespmem:s17+$0x20];
	[tilespmem:s18+$0x410 ss:$0x41] =	vst.msk $0xffff, v1  }
0x3e: {  	s16 =	sshrl.u32 s16, $0x2;
	v1 =	vld [tilespmem:s17+$0xFFFFFFC0];
	[tilespmem:s18+$0x820 ss:$0x41] =	vst.msk $0xffff, v5;
	s17 =	sadd.s32 $0x80, s17  }
0x3f: {  	s20 =	simm.s32 $0x4;
	s21 =	simm.s32 $0x8;
	s16 =	sor.u32 $0x4000, s16;
	[tilespmem:s18+$0xC30 ss:$0x41] =	vst.msk $0xffff, v6;
	v0 =	vld [tilespmem:s17+$0x30]  }
.LBB1_3:
0x40: {  	p1 =	sne.s32 s21, $0xFC;
	v5 =	vld [tilespmem:s17+$0xFFFFFFD0];
	[tilespmem:s18+$0x1040 ss:$0x41] =	vst.msk $0xffff, v4  }
0x41: {  	v6 =	vld [tilespmem:s17+$0xFFFFFFE0];
	[tilespmem:s18+$0x1450 ss:$0x41] =	vst.msk $0xffff, v3  }
0x42: {  	s22 =	sshra.s32 s20, $0x2;
	s20 =	smov.u32 s21;
	v7 =	vld [tilespmem:s17+$0xFFFFFFF0];
	[tilespmem:s18+$0x1860 ss:$0x41] =	vst.msk $0xffff, v2  }
.Ltmp3:
0x43: {  	v4 =	vld [tilespmem:s17+$0x0];
	[tilespmem:s18+$0x0 ss:$0x41] =	vst.msk $0xffff, v1;
	s18 =	sadd.s32 s22, s19;
	(pc) =	sbr.rel @p1 .LBB1_3-.Ltmp3, $4  }
0x44: {  	v3 =	vld [tilespmem:s17+$0x10];
	[tilespmem:s18+$0x1C70 ss:$0x41] =	vst.msk $0xffff, v0  }
0x45: {  	[tilespmem:s18+$0x410 ss:$0x41] =	vst.msk $0xffff, v5;
	v2 =	vld [tilespmem:s17+$0x20]  }
0x46: {  	v1 =	vld [tilespmem:s17+$0xFFFFFFC0];
	[tilespmem:s18+$0x820 ss:$0x41] =	vst.msk $0xffff, v6;
	s17 =	sadd.s32 $0x80, s17  }
0x47: {  	s21 =	sadd.s32 $0x4, s21;
	v0 =	vld [tilespmem:s17+$0x30];
	[tilespmem:s18+$0xC30 ss:$0x41] =	vst.msk $0xffff, v7  }
0x48: {  	s21 =	sshll.u32 s9, $0x7;
	s22 =	sshll.u32 s10, $0x3;
	s20 =	sshra.s32 s20, $0x2  }
0x49: {  	p1 =	sgt.s32 s9, $0xF41C0;
	s30 =	sshra.s32 s9, $0x1F;
	s25 =	sshra.s32 s10, $0x1F  }
0x4a: {  	v5 =	vld [tilespmem:s17+$0xFFFFFFD0];
	s28 =	sshrl.u32 s10, $0x3;
	s23 =	sand.u32 $0xFFFFFC00, s21;
	s22 =	sand.u32 $0xFFFFFC00, s22  }
0x4b: {  	[tilespmem:s18+$0x1040 ss:$0x41] =	vst.msk $0xffff, v4;
	v58 =	vld [tilespmem:s17+$0xFFFFFFE0];
	s21 =	sand.u32 $0x380, s21;
	s19 =	sadd.s32 s20, s19;
	s22 =	sadd.s32 s22, s23  }
0x4c: {  	v59 =	vld [tilespmem:s17+$0xFFFFFFF0];
	[tilespmem:s18+$0x1450 ss:$0x41] =	vst.msk $0xffff, v3;
	s29 =	sor.u32 s21, s22;
	s21 =	smov.u32 s9;
	s22 =	sand.u32 s30, s9  }
0x4d: {  	v60 =	vld [tilespmem:s17+$0x0];
	[tilespmem:s18+$0x1860 ss:$0x41] =	vst.msk $0xffff, v2;
	s30 =	sand.u32 $0x7, s10;
	s20 =	sshrl.u32 s29, $0x7;
	s21 =	simm.s32 @!p1 $0xF41C0  }
0x4e: {  	v61 =	vld [tilespmem:s17+$0x10];
	[tilespmem:s18+$0x0 ss:$0x41] =	vst.msk $0xffff, v1;
	p1 =	sgt.s32 s10, $0x40;
	s24 =	ssub.s32 s21, s22;
	s21 =	smov.u32 s10  }
0x4f: {  	v62 =	vld [tilespmem:s17+$0x20];
	[tilespmem:s19+$0x1C70 ss:$0x41] =	vst.msk $0xffff, v0;
	s31 =	smulhi.u32 $0x218DEF5, s20;
	s22 =	sand.u32 s25, s10;
	s21 =	simm.s32 @!p1 $0x40  }
0x50: {  	v63 =	vld [tilespmem:s17+$0xFFFFFFC0];
	[tilespmem:s19+$0x410 ss:$0x41] =	vst.msk $0xffff, v5;
	s26 =	sadd.s32 $0xFFF0BE40, s24;
	s17 =	ssub.s32 $0xF4240, s24;
	s21 =	ssub.s32 s21, s22  }
0x51: {  	[tilespmem:s19+$0x820 ss:$0x41] =	vst.msk $0xffff, v58;
	s23 =	sshrl.u32 s31, $0xD;
	p1 =	sgt.s32 s26, $0x7F;
	s27 =	sadd.s32 $0xFFFFFFC0, s21  }
0x52: {  	[tilespmem:s19+$0xC30 ss:$0x41] =	vst.msk $0xffff, v59;
	s23 =	smul.u32 $0xF4240, s23;
	s18 =	ssub.s32 $0x80, s21;
	p2 =	sgt.s32 s27, $0x3F  }
.Ltmp4:
0x53: {  	[tilespmem:s19+$0x1040 ss:$0x41] =	vst.msk $0xffff, v60;
	s17 =	simm.s32 @p1 $0x0;
	s18 =	simm.s32 @p2 $0x0;
	(pc) =	sbr.rel .LBB1_5-.Ltmp4, $4  }
0x54: {  	s29 =	sand.u32 $0xF, s28;
	[tilespmem:s19+$0x1450 ss:$0x41] =	vst.msk $0xffff, v61;
	s20 =	ssub.s32 s20, s23;
	s17 =	smul.u32 s18, s17  }
0x55: {  	[tilespmem:s19+$0x1860 ss:$0x41] =	vst.msk $0xffff, v62;
	s21 =	sshll.u32 s30, $0x12;
	s20 =	sshll.u32 s20, $0x4;
	s18 =	sadd.s32 s5, s29  }
0x56: {  	[tilespmem:s19+$0x0 ss:$0x41] =	vst.msk $0xffff, v63;
	s31 =	sor.u32 $0x40, s21;
	s18 =	sadd.s32 s20, s18;
	s17 =	sand.u32 $0x3FFFFFFF, s17  }
0x57: {  	[hbm4b:s18+s31] =	stream.strided.scatter [tilespmem:s16], [sflag:$0x2], s17, s8, s31, $0x18;
	[tilespmem:$0x8100] =	vst v63  }
.LBB1_6:
0x58: {  	_ =	sfence.sel $0x180000  }
0x59: {  	s2 =	simm.s32 $0x1;
	[bflag:$0x0] =	sbarrier.arrive $0xFFFF  }
0x5a: {  	s31 =	simm.s32 $0x2;
	[sflag:s2] =	ssyncpa.u1 $0x1  }
0x5b: {  	[sflag:s31] =	ssyncpa.u1 $0x1  }
0x5c: {  	p0 =	sne.s32 s1, $0x0;
	_ =	strace $0x90000047  }
0x5d: {  	s0 =	sadd.s32 @!p0 $0x100000, s0;
	[bflag:$0x2] =	sbarrier.arrive $0xFFFF  }
0x5e: {  	[sflag:s0] =	ssyncadd.tile.s32 @!p0 $0x1;
	_ =	shalt  }
.Lfunc_end1:
_tile_overlayer_lowered:
.L_overlay_start_2:
0x5f: {  	(tag) =	ssettag $0x2  }
0x60: {  	s0 =	rddreg [dreg:$0x0];
	s2 =	stileid.u32  }
0x61: {  	s1 =	rddreg [dreg:$0x1];
	p0 =	sne.s32 s2, $0x0  }
0x62: {  	s3 =	rddreg [dreg:$0x2];
	[bflag:$0x3] =	sbarrier.arrive $0xFFFF;
	s2 =	simm.s32 @!p0 $0x1C01  }
0x63: {  	[timem:s3], [sflag:s2] =	dma.local @!p0 [hbm:s0], s1  }
0x64: {  	s0 =	simm.s32 @!p0 $0x1  }
0x65: {  	_ =	swait.ge @!p0 [sflag:s0], s1  }
0x66: {  	s1 =	ssub.s32 @!p0 $0x0, s1;
	[sflag:s0] =	ssyncset.done @!p0 $0x0  }
0x67: {  	[sflag:s0] =	ssyncadd.s32 @!p0 s1  }
0x68: {  	[bflag:$0x3] =	sbarrier.arrive $0xFFFF  }
0x69: {  	_ =	shalt  }

// kernel: sparse-core-data-format-call.cloned.1.call-start
scs
called_computation_lowered:
.L_overlay_start_0:
0x0: {  	s2 =	sld [smem:$0x3FD9]  }
0x1: {  	s3 =	sld [smem:$0x3FFE];
	_ =	sdelay $0x1  }
0x2: {  	s1 =	srdreg.scid  }
0x3: {  	s0 =	sand.u32 $0x1, s1  }
0x4: {  	s18 =	sshll.u32 s0, $0xA;
	s2 =	sadd.s32 s3, s2  }
0x5: {  	s2 =	sadd.s32 s2, s18  }
0x6: {  	[smem:$0x3FC6] =	sst s2  }
0x7: {  	_ = 	snop  }
0x8: {  	s2 =	sld [smem:$0x3FD0];
	(tm) =	ssettm $0x1  }
0x9: {  	s19 =	sld [smem:$0x3FFB];
	_ =	sdelay $0x3  }
0xa: {  	_ =	strace s19  }
0xb: {  	s3 =	sld [smem:$0x3FFC];
	_ =	sdelay $0x3  }
0xc: {  	_ =	strace s3  }
0xd: {  	s3 =	sld [smem:$0x3FFD];
	_ =	sdelay $0x3  }
0xe: {  	_ =	strace s3  }
0xf: {  	_ =	strace $0x8FFFFFFF  }
0x10: {  	s20 =	sld [smem:$0x3FDB];
	_ =	sdelay $0x1  }
0x11: {  	s4 =	simm.s32 $_scs_section_size  }
0x12: {  	s5 =	simm.s32 $_size__tile_overlayer_lowered;
	s6 =	simm.s32 $_tile_overlayer_lowered  }
0x13: {  	s23 =	simm.s32 $0x1BFF;
	s22 =	sshll.u32 s6, $0x1;
	s3 =	sadd.s32 s4, s20  }
0x14: {  	s7 =	simm.s32 $0x0;
	s21 =	sshll.u32 s5, $0x1;
	s5 =	sadd.s32 s22, s3  }
0x15: {  	[timem:s7], [sflag:s23] =	dma.local [hbm:s5], s21  }
0x16: {  	_ =	swait.ge [sflag:s23], s21  }
0x17: {  	s4 =	ssub.s32 $0x0, s21;
	[sflag:s23] =	ssyncset.done $0x0  }
0x18: {  	[sflag:s23] =	ssyncadd.s32 s4;
	_ =	sdelay $0x1  }
0x19: {  	s24 =	simm.s32 $0x1B8B  }
0x1a: {  	_ =	swait.ge [sflag:s24], $0x1  }
0x1b: {  	[sflag:s24] =	ssyncset.done $0x0  }
0x1c: {  	s26 =	simm.s32 $0x1B8E;
	s25 =	sld [smem:$0x3FFE];
	[sflag:s24] =	ssyncadd.s32 $0xFFFFFFFF  }
0x1d: {  	s27 =	simm.s32 $execute0_lowered;
	[smem:$0x3FD2] =	sst s26  }
0x1e: {  	s5 =	sshll.u32 s27, $0x1;
	_ =	strace $0x8000004C;
	[dreg:$0x1] =	wrdreg $0xFFFFFFFF  }
0x1f: {  	s28 =	simm.s32 $_size_execute0_lowered;
	s3 =	sadd.s32 s3, s5;
	[dreg:$0x0] =	wrdreg $0x0  }
0x20: {  	s5 =	sshll.u32 s28, $0x1;
	[dreg:$0x2] =	wrdreg s3  }
0x21: {  	[dreg:$0x3] =	wrdreg s5  }
0x22: {  	[dreg:$0x4] =	wrdreg $0xC0  }
0x23: {  	_ =	task [dreg:s7], $0x5FFFF  }
0x24: {  	[dreg:$0x1] =	wrdreg $0xFFFFFFFF  }
0x25: {  	[dreg:$0x0] =	wrdreg $0x60  }
0x26: {  	[dreg:$0x2] =	wrdreg s25  }
0x27: {  	[dreg:$0x3] =	wrdreg s2  }
0x28: {  	[dreg:$0x4] =	wrdreg $0x9  }
0x29: {  	_ =	task.clear_ibuf [dreg:s7], $0x5FFFF;
	_ =	strace $0x9000004C  }
0x2a: {  	s29 =	simm.s32 $0x9;
	_ =	strace $0x8000004E  }
0x2b: {  	_ =	swait.ge [sflag:s29], $0x1  }
0x2c: {  	[sflag:s29] =	ssyncadd.s32 $0xFFFFFFFF  }
0x2d: {  	_ =	strace $0x9000004E  }
0x2e: {  	_ =	sfence  }
0x2f: {  	s30 =	sld [smem:$0x0];
	_ =	sdelay $0x2  }
0x30: {  	s31 =	sshll.u32 s1, $0xD;
	s1 =	sshrl.u32 s1, $0x2  }
0x31: {  	s3 =	sand.u32 $0x4000, s31;
	s1 =	sadd.s32 s1, s30  }
0x32: {  	s0 =	sor.u32 s3, s0;
	s1 =	sshll.u32 s1, $0x11  }
0x33: {  	s0 =	sor.u32 s1, s0  }
0x34: {  	s0 =	sadd.s32 $0x8F2B, s0  }
0x35: {  	[sflag:s0] =	ssyncadd.remote.s32 $0x1  }
0x36: {  	_ =	sfence.sel $0xFFFF  }
0x37: {  	[dreg:$0x0] =	wrdreg $0xFFFFFFFF;
	(pc) =	sbr.abs _section_cstart, $3  }
0x38: {  	[dreg:$0x1] =	wrdreg $0xFFFFFFFF  }
0x39: {  	_ =	task.clear_ibuf [dreg:s7], $0x2FFFF;
	_ =	strace $0x9FFFFFFF  }
0x3a: {  	(tm) =	ssettm $0x7FFFFFFF  }
0x3b: {  	_ =	shalt  }
tec
execute0_lowered:
.L_overlay_start_1:
0x0: {  	(tag) =	ssettag $0x1  }
0x1: {  	s0 =	srdreg.scid  }
0x2: {  	s1 =	sshll.u32 s0, $0x4  }
0x3: {  	s0 =	stileid.u32;
	s1 =	sand.u32 $0x10, s1  }
0x4: {  	s1 =	sor.u32 s0, s1  }
0x5: {  	s6 =	rddreg [dreg:$0x0];
	s4 =	simm.s32 $0x1;
	s2 =	sshll.u32 s1, $0x7  }
0x6: {  	s7 =	simm.s32 $0x2;
	s12 =	simm.s32 $0x0;
	s1 =	ssub.s32 $0x4000, s2  }
0x7: {  	s8 =	simm.s32 $0x20000;
	s13 =	simm.s32 $0x0;
	s3 =	sand.u32 $0xF80, s1  }
0x8: {  	s9 =	simm.s32 $0x0;
	s5 =	sshrl.u32 s1, $0xC;
	p0 =	sne.s32 s3, $0x0  }
.Ltmp0:
0x9: {  	s1 =	rddreg [dreg:$0x2];
	s4 =	simm.s32 @!p0 $0x0;
	(pc) =	sbr.rel .LBB1_1-.Ltmp0, $4  }
0xa: {  	s11 =	simm.s32 $0x0;
	s3 =	rddreg [dreg:$0x1];
	s5 =	sadd.s32 s4, s5  }
0xb: {  	_ =	strace $0x8000004D;
	s4 =	simm.s32 $0x1;
	s5 =	smul.u32 $0x32, s5  }
0xc: {  	s6 =	sadd.s32 $0xA00, s6;
	s10 =	smov.u32 s2;
	[sflag:s4] =	ssyncpa.u1 $0x0  }
0xd: {  	p0 =	por $0x0, $0x0;
	[sflag:s7] =	ssyncpa.u1 $0x0;
	s7 =	sor.u32 $0x1, s5  }
.LBB1_4:
0xe: {  	s16 =	sshll.u32 s13, $0x3;
	s17 =	sand.u32 $0x78, s13  }
0xf: {  	s30 =	sand.u32 $0x1F800, s13;
	s12 =	sshll.u32 s12, $0x11;
	s16 =	sand.u32 $0x3C00, s16  }
0x10: {  	[tilespmem:s15+$0x810 ss:$0x81] =	vst.msk $0xffff, v2;
	s31 =	sand.u32 $0x7, s13;
	s16 =	sor.u32 s17, s16;
	s17 =	sadd.s32 s3, s30  }
0x11: {  	[tilespmem:s15+$0x1020 ss:$0x81] =	vst.msk $0xffff, v0;
	s13 =	sshll.u32 s31, $0x12;
	s12 =	sadd.s32 s12, s17;
	s16 =	sshrl.u32 s16, $0x3  }
0x12: {  	[tilespmem:s15+$0x0 ss:$0x81] =	vst.msk $0xffff, v1;
	s13 =	sor.u32 $0x400, s13;
	s12 =	sadd.s32 s16, s12  }
0x13: {  	[hbm4b:s12+s13] =	stream.strided.scatter [tilespmem:s14], [sflag:$0x2], $0x2000, s8, s13, $0x20;
	[tilespmem:$0x8080] =	vst v63  }
.LBB1_5:
0x14: {  	s14 =	sadd.s32 $0x1, s9  }
0x15: {  	s12 =	sadd.s32 $0x1000, s10;
	s16 =	smov.u32 s10;
	p2 =	sgt.s32 s14, $0x31  }
0x16: {  	s16 =	smov.u32 @p2 s12  }
0x17: {  	s14 =	simm.s32 @p2 $0x0;
	p2 =	sgt.s32 s16, $0x3FFF  }
0x18: {  	s16 =	smov.u32 @p2 s2;
	p2 =	sne.s32 s11, s7  }
.Ltmp1:
0x19: {  	p1 =	slt.u32 s11, $0x2;
	(pc) =	sbr.rel @!p2 .LBB1_6-.Ltmp1, $4  }
0x1a: {  	s15 =	simm.s32 @!p1 $0x2  }
0x1b: {  	s13 =	smov.u32 s10;
	p0 =	por !p0, !p0;
	_ =	swait.ge @!p1 [sflag:s15], $0x2000  }
0x1c: {  	s12 =	smov.u32 s9;
	[sflag:s15] =	ssyncset.done @!p1 $0x0;
	s9 =	smov.u32 s14  }
0x1d: {  	s11 =	sadd.s32 $0x1, s11;
	[sflag:s15] =	ssyncadd.s32 @!p1 $0xFFFFE000;
	s10 =	smov.u32 s16  }
.LBB1_1:
0x1e: {  	p1 =	sge.u32 s11, s5  }
0x1f: {  	s14 =	sand.u32 @!p1 $0x1FFFFFF, s9  }
0x20: {  	s15 =	smulhi.u32 @!p1 $0x4924925, s14;
	_ =	sdelay $0x1  }
0x21: {  	s15 =	smul.u32 @!p1 $0x38, s15  }
0x22: {  	s16 =	sxor.u32 @!p1 $0xFFFFFFFF, s11;
	s17 =	smul.u32 @!p1 $0x380, s10  }
0x23: {  	s31 =	sadd.s32 $0xFFFFFFFF, s11;
	s16 =	sshll.u32 @!p1 s16, $0xD;
	s14 =	ssub.s32 @!p1 s14, s15  }
0x24: {  	s15 =	sand.u32 @!p1 $0x2000, s16;
	s16 =	sadd.s32 @!p1 s6, s17;
	s14 =	sshll.u32 @!p1 s14, $0x4  }
0x25: {  	s17 =	simm.s32 @!p1 $0x1C00;
	s14 =	sadd.s32 @!p1 s14, s16;
	s16 =	simm.s32 @!p1 $0x40  }
0x26: {  	[tilespmem:s15], [sflag:$0x1] =	stream.strided.gather @!p1 [hbm4b:s14+s16], $0x2000, s17, s16, $0x38;
	[tilespmem:$0x8080] =	vst v63  }
0x27: {  	p1 =	sge.u32 s31, s5  }
.Ltmp2:
0x28: {  	_ = 	snop;
	(pc) =	sbr.rel @p1 .LBB1_5-.Ltmp2, $1  }
0x29: {  	_ =	sdelay $0x3  }
0x2a: {  	s14 =	simm.s32 $0x1  }
0x2b: {  	_ =	swait.ge [sflag:s4], $0x2000;
	s14 =	simm.s32 @!p0 $0x0  }
0x2c: {  	[sflag:s4] =	ssyncset.done $0x0;
	s15 =	sshll.u32 s14, $0xD  }
0x2d: {  	[sflag:s4] =	ssyncadd.s32 $0xFFFFE000;
	s18 =	sor.u32 $0x20, s15  }
0x2e: {  	s14 =	smul.u32 $0x8100, s14;
	v3 =	vld [tilespmem:s18+$0x10]  }
0x2f: {  	s30 =	sand.u32 $0x1, s11;
	v2 =	vld [tilespmem:s18+$0xFFFFFFF0]  }
0x30: {  	s15 =	smul.u32 $0x8100, s30;
	s14 =	sshrl.u32 s14, $0x2;
	v0 =	vld [tilespmem:s18+$0x0]  }
0x31: {  	v1 =	vld [tilespmem:s18+$0xFFFFFFE0];
	s16 =	sor.u32 $0x4000, s14  }
0x32: {  	s31 =	sshrl.u32 s15, $0x2;
	s15 =	sadd.s32 $0x0, s16  }
0x33: {  	s17 =	simm.s32 $0x4;
	s18 =	sadd.s32 $0x40, s18;
	s14 =	sor.u32 $0x4000, s31;
	[tilespmem:s15+$0x1830 ss:$0x81] =	vst.msk $0xffff, v3  }
.LBB1_3:
0x34: {  	v3 =	vld [tilespmem:s18+$0x10];
	p1 =	sne.s32 s17, $0x1FC;
	[tilespmem:s15+$0x810 ss:$0x81] =	vst.msk $0xffff, v2;
	s19 =	smov.u32 s17;
	s17 =	sadd.s32 $0x4, s17  }
.Ltmp3:
0x35: {  	v2 =	vld [tilespmem:s18+$0xFFFFFFF0];
	[tilespmem:s15+$0x1020 ss:$0x81] =	vst.msk $0xffff, v0;
	(pc) =	sbr.rel @p1 .LBB1_3-.Ltmp3, $4  }
0x36: {  	v0 =	vld [tilespmem:s18+$0x0];
	[tilespmem:s15+$0x0 ss:$0x81] =	vst.msk $0xffff, v1  }
0x37: {  	s15 =	sshra.s32 s19, $0x2;
	v1 =	vld [tilespmem:s18+$0xFFFFFFE0]  }
0x38: {  	s15 =	sadd.s32 s15, s16  }
0x39: {  	s18 =	sadd.s32 $0x40, s18;
	[tilespmem:s15+$0x1830 ss:$0x81] =	vst.msk $0xffff, v3  }
.Ltmp4:
0x3a: {  	_ = 	snop;
	(pc) =	sbr.rel .LBB1_4-.Ltmp4, $1  }
0x3b: {  	_ =	sdelay $0x3  }
.LBB1_6:
0x3c: {  	_ =	sfence.sel $0x180000  }
0x3d: {  	s2 =	simm.s32 $0x1;
	[bflag:$0x0] =	sbarrier.arrive $0xFFFF  }
0x3e: {  	s31 =	simm.s32 $0x2;
	[sflag:s2] =	ssyncpa.u1 $0x1  }
0x3f: {  	[sflag:s31] =	ssyncpa.u1 $0x1  }
0x40: {  	p0 =	sne.s32 s0, $0x0;
	_ =	strace $0x9000004D  }
0x41: {  	s0 =	sadd.s32 @!p0 $0x100000, s1;
	[bflag:$0x2] =	sbarrier.arrive $0xFFFF  }
0x42: {  	[sflag:s0] =	ssyncadd.tile.s32 @!p0 $0x1;
	_ =	shalt  }
.Lfunc_end1:
_tile_overlayer_lowered:
.L_overlay_start_2:
0x43: {  	(tag) =	ssettag $0x2  }
0x44: {  	s0 =	rddreg [dreg:$0x0];
	s2 =	stileid.u32  }
0x45: {  	s1 =	rddreg [dreg:$0x1];
	p0 =	sne.s32 s2, $0x0  }
0x46: {  	s3 =	rddreg [dreg:$0x2];
	[bflag:$0x3] =	sbarrier.arrive $0xFFFF;
	s2 =	simm.s32 @!p0 $0x1C01  }
0x47: {  	[timem:s3], [sflag:s2] =	dma.local @!p0 [hbm:s0], s1  }
0x48: {  	s0 =	simm.s32 @!p0 $0x1  }
0x49: {  	_ =	swait.ge @!p0 [sflag:s0], s1  }
0x4a: {  	s1 =	ssub.s32 @!p0 $0x0, s1;
	[sflag:s0] =	ssyncset.done @!p0 $0x0  }
0x4b: {  	[sflag:s0] =	ssyncadd.s32 @!p0 s1  }
0x4c: {  	[bflag:$0x3] =	sbarrier.arrive $0xFFFF  }
0x4d: {  	_ =	shalt  }

</sc_bundles>
